<compile_context>
chip_gen: v7x
topology: tpu7x:2x2x1
jax: 0.10.2.dev20260603
libtpu: 0.0.44.dev20260713+nightly
codegen_flags: <defaults>
</compile_context>

<pallas_src>
import functools

import jax
import jax.numpy as jnp
from jax import lax
from jax.experimental import pallas as pl
from jax.experimental.pallas import tpu as pltpu
from jax.experimental.pallas import tpu_sc as plsc

_B = 16384
_D = 128
_BS = 6144
_BT = _B - _BS
_NC, _NS = 2, 16
_NW = _NC * _NS
_RPW = _BS // _NW
_UROWS = 64
_UNITS = _RPW // _UROWS

_TROWS = 2048
_TC = _TROWS // 128

_AROWS = 2048


def _tc_body(uf_ref, d1f_ref, d2f_ref, v1_ref, v2_ref, o_ref):
    uf = uf_ref[...]
    m1 = jnp.max(uf)
    m2 = jnp.max(uf - d2f_ref[...])
    i = pl.program_id(0)
    d1b = d1f_ref[pl.ds(i * _TC, _TC), :]
    d2b = d2f_ref[pl.ds(i * _TC, _TC), :]
    s1t = jnp.transpose(jnp.minimum(d1b, m2))
    s2t = jnp.transpose(jnp.minimum(d2b, m1))
    for k in range(_TC):
        sl = slice(128 * k, 128 * (k + 1))
        o_ref[sl, :] = (
            v1_ref[sl, :] * s1t[:, k : k + 1] + v2_ref[sl, :] * s2t[:, k : k + 1]
        )


def _sc_body(
    v1_hbm,
    v2_hbm,
    u_hbm,
    d1_hbm,
    d2_hbm,
    o_hbm,
    us,
    ds,
    sd1,
    sd2,
    v1a,
    v2a,
    oa,
    v1b,
    v2b,
    ob,
    sb1,
    sb2,
    s_us,
    s_ds,
    s_sd1,
    s_sd2,
    s_v1a,
    s_v2a,
    s_oa,
    s_v1b,
    s_v2b,
    s_ob,
):
    w = lax.axis_index("s") * _NC + lax.axis_index("c")
    rbase = _BT + w * _RPW
    obase = w * _RPW * _D

    cu = pltpu.async_copy(u_hbm, us, s_us)
    cd = pltpu.async_copy(d2_hbm, ds, s_ds)
    c1 = pltpu.async_copy(d1_hbm.at[pl.ds(rbase, _RPW)], sd1, s_sd1)
    c2 = pltpu.async_copy(d2_hbm.at[pl.ds(rbase, _RPW)], sd2, s_sd2)
    bufs = [(v1a, v2a, oa, s_v1a, s_v2a, s_oa), (v1b, v2b, ob, s_v1b, s_v2b, s_ob)]

    def start_in(t):
        fb = (rbase + t * _UROWS) * _D
        b = bufs[t % 2]
        return (
            pltpu.async_copy(v1_hbm.at[pl.ds(fb, _UROWS * _D)], b[0], b[3]),
            pltpu.async_copy(v2_hbm.at[pl.ds(fb, _UROWS * _D)], b[1], b[4]),
        )

    pend = start_in(0)
    cu.wait()
    cd.wait()

    neg = jnp.full((16,), -3.0e38, jnp.float32)

    def mxstep(k, carry):
        a1, a2 = carry
        base = k * 256
        for j in range(16):
            uu = us[pl.ds(base + 16 * j, 16)]
            dd = ds[pl.ds(base + 16 * j, 16)]
            a1 = jnp.maximum(a1, uu)
            a2 = jnp.maximum(a2, uu - dd)
        return a1, a2

    a1, a2 = lax.fori_loop(0, _B // 256, mxstep, (neg, neg))
    m1 = jnp.max(a1)
    m2 = jnp.max(a2)
    c1.wait()
    c2.wait()
    m1v = jnp.full((16,), m1, jnp.float32)
    m2v = jnp.full((16,), m2, jnp.float32)

    def expand(g, _):
        s1 = jnp.minimum(sd1[pl.ds(g * 16, 16)], m2v)
        s2 = jnp.minimum(sd2[pl.ds(g * 16, 16)], m1v)
        for t16 in range(16):
            sb1[pl.ds((g * 16 + t16) * 16, 16)] = jnp.full((16,), s1[t16], jnp.float32)
            sb2[pl.ds((g * 16 + t16) * 16, 16)] = jnp.full((16,), s2[t16], jnp.float32)
        return 0

    lax.fori_loop(0, _RPW // 16, expand, 0)

    out_pend = [None, None]
    nxt = pend
    for t in range(_UNITS):
        cur = nxt
        b = bufs[t % 2]
        if t + 1 < _UNITS:
            nxt = start_in(t + 1)
        cur[0].wait()
        cur[1].wait()
        if out_pend[t % 2] is not None:
            out_pend[t % 2].wait()

        def row(r, _):
            a = sb1[pl.ds((t * _UROWS + r) * 16, 16)]
            c = sb2[pl.ds((t * _UROWS + r) * 16, 16)]
            for j in range(8):
                cs = pl.ds(r * _D + 16 * j, 16)
                b[2][cs] = b[0][cs] * a + b[1][cs] * c
            return 0

        lax.fori_loop(0, _UROWS, row, 0)
        out_pend[t % 2] = pltpu.async_copy(
            b[2], o_hbm.at[pl.ds(obase + t * _UROWS * _D, _UROWS * _D)], b[5]
        )
    for op_ in out_pend:
        if op_ is not None:
            op_.wait()


def _asm_body(sc_ref, tc_ref, o_ref):
    del tc_ref
    o_ref[...] = sc_ref[...]


def kernel(u, d1, d2, v1, v2):
    B, D = v1.shape
    uf = u.reshape(B // 128, 128)
    d1f = d1.reshape(B // 128, 128)
    d2f = d2.reshape(B // 128, 128)

    tc_full = pl.pallas_call(
        _tc_body,
        grid=(_BT // _TROWS,),
        in_specs=[
            pl.BlockSpec((B // 128, 128), lambda i: (0, 0)),
            pl.BlockSpec((B // 128, 128), lambda i: (0, 0)),
            pl.BlockSpec((B // 128, 128), lambda i: (0, 0)),
            pl.BlockSpec((_TROWS, D), lambda i: (i, 0)),
            pl.BlockSpec((_TROWS, D), lambda i: (i, 0)),
        ],
        out_specs=pl.BlockSpec((_TROWS, D), lambda i: (i, 0)),
        out_shape=jax.ShapeDtypeStruct((B, D), jnp.float32),
    )(uf, d1f, d2f, v1, v2)

    sc_kernel = functools.partial(
        pl.kernel,
        mesh=plsc.VectorSubcoreMesh(core_axis_name="c", subcore_axis_name="s"),
        compiler_params=pltpu.CompilerParams(needs_layout_passes=False),
        out_type=jax.ShapeDtypeStruct((_BS * D,), jnp.float32),
        scratch_types=[
            pltpu.VMEM((B,), jnp.float32),
            pltpu.VMEM((B,), jnp.float32),
            pltpu.VMEM((_RPW,), jnp.float32),
            pltpu.VMEM((_RPW,), jnp.float32),
            pltpu.VMEM((_UROWS * _D,), jnp.float32),
            pltpu.VMEM((_UROWS * _D,), jnp.float32),
            pltpu.VMEM((_UROWS * _D,), jnp.float32),
            pltpu.VMEM((_UROWS * _D,), jnp.float32),
            pltpu.VMEM((_UROWS * _D,), jnp.float32),
            pltpu.VMEM((_UROWS * _D,), jnp.float32),
            pltpu.VMEM((_RPW * 16,), jnp.float32),
            pltpu.VMEM((_RPW * 16,), jnp.float32),
            pltpu.SemaphoreType.DMA,
            pltpu.SemaphoreType.DMA,
            pltpu.SemaphoreType.DMA,
            pltpu.SemaphoreType.DMA,
            pltpu.SemaphoreType.DMA,
            pltpu.SemaphoreType.DMA,
            pltpu.SemaphoreType.DMA,
            pltpu.SemaphoreType.DMA,
            pltpu.SemaphoreType.DMA,
            pltpu.SemaphoreType.DMA,
        ],
    )
    sc_out = sc_kernel(_sc_body)(
        v1.reshape(B * D),
        v2.reshape(B * D),
        u.reshape(B),
        d1.reshape(B),
        d2.reshape(B),
    )

    out = pl.pallas_call(
        _asm_body,
        grid=(_BS // _AROWS,),
        in_specs=[
            pl.BlockSpec((_AROWS, D), lambda i: (i, 0)),
            pl.BlockSpec(memory_space=pl.ANY),
        ],
        out_specs=pl.BlockSpec((_AROWS, D), lambda i: (_BT // _AROWS + i, 0)),
        out_shape=jax.ShapeDtypeStruct((B, D), jnp.float32),
        input_output_aliases={1: 0},
    )(sc_out.reshape(_BS, D), tc_full)
    return out

# --- scband reference (transcript-rebuilt; emitter-appended) ---
"""Pipeline reference for scband-pdasimple-struct-47296179864288 (READ-ONLY COPY).

The authoritative reference and input builder live on the scoring server;
editing this copy changes nothing except your own understanding.
"""

import jax, jax.numpy as jnp
import numpy as np


def setup_inputs(seed: int = 0) -> dict:
    key = jax.random.key(seed)
    k1, k2, k3, k4, k5 = jax.random.split(key, 5)
    B, D = 16384, 128
    u = jax.random.uniform(k1, (B, 1), dtype=jnp.float32)
    d1 = jax.random.uniform(k2, (B, 1), dtype=jnp.float32)
    d2 = jax.random.uniform(k3, (B, 1), dtype=jnp.float32)
    v1 = jax.random.normal(k4, (B, D), dtype=jnp.float32)
    v2 = jax.random.normal(k5, (B, D), dtype=jnp.float32)
    return {"u": u, "d1": d1, "d2": d2, "v1": v1, "v2": v2}


def reference(u, d1, d2, v1, v2):
    # Concrete LIFO stack semantics (standard Grefenstette neural stack):
    #   _push_index   -> len(values)  (append at top)
    #   _read_indices -> reversed(range(len))  (read from top)
    #   _pop_indices  -> reversed(range(len))  (pop from top)
    # forward(u, d1, d2, v1, v2): push(d1, d2, v1, v2); readcontent = read(u); pop(u); return readcontent
    B = u.shape[0]
    D = v1.shape[1]
    # push: starting from an empty, freshly initialized struct, insert v1 then v2 at the top
    values = [v1, v2]
    strengths = [d1, d2]
    # read(u): summary += values[i] * min(strengths[i], max(u - strength_used))
    # NOTE: torch.max with a single tensor argument is a full reduction to a scalar;
    # we replicate that faithfully with jnp.max.
    summary = jnp.zeros((B, D), dtype=jnp.float32)
    strength_used = jnp.zeros((B, 1), dtype=jnp.float32)
    for i in reversed(range(len(values))):
        summary = summary + values[i] * jnp.minimum(strengths[i], jnp.max(u - strength_used))
        strength_used = strength_used + strengths[i]
    # pop(u) mutates internal stack state only; it does not affect the returned readcontent.
    return summary

if __name__ == "__main__":
    import jax
    _d = setup_inputs()
    print(jax.jit(kernel)(*tuple(_d.values())))

</pallas_src>

<mosaic_0001>
#map = affine_map<(d0, d1) -> (0)>
module attributes {stable_mosaic.version = 14 : i64} {
  func.func @_sc_body(%arg0: i32, %arg1: i32, %arg2: memref<2097152xf32, #tpu.memory_space<hbm>>, %arg3: memref<2097152xf32, #tpu.memory_space<hbm>>, %arg4: memref<16384xf32, #tpu.memory_space<hbm>>, %arg5: memref<16384xf32, #tpu.memory_space<hbm>>, %arg6: memref<16384xf32, #tpu.memory_space<hbm>>, %arg7: memref<786432xf32, #tpu.memory_space<hbm>>, %arg8: memref<16384xf32, #tpu.memory_space<vmem>>, %arg9: memref<16384xf32, #tpu.memory_space<vmem>>, %arg10: memref<192xf32, #tpu.memory_space<vmem>>, %arg11: memref<192xf32, #tpu.memory_space<vmem>>, %arg12: memref<8192xf32, #tpu.memory_space<vmem>>, %arg13: memref<8192xf32, #tpu.memory_space<vmem>>, %arg14: memref<8192xf32, #tpu.memory_space<vmem>>, %arg15: memref<8192xf32, #tpu.memory_space<vmem>>, %arg16: memref<8192xf32, #tpu.memory_space<vmem>>, %arg17: memref<8192xf32, #tpu.memory_space<vmem>>, %arg18: memref<3072xf32, #tpu.memory_space<vmem>>, %arg19: memref<3072xf32, #tpu.memory_space<vmem>>, %arg20: memref<!tpu.dma_semaphore, #tpu.memory_space<semaphore_mem>>, %arg21: memref<!tpu.dma_semaphore, #tpu.memory_space<semaphore_mem>>, %arg22: memref<!tpu.dma_semaphore, #tpu.memory_space<semaphore_mem>>, %arg23: memref<!tpu.dma_semaphore, #tpu.memory_space<semaphore_mem>>, %arg24: memref<!tpu.dma_semaphore, #tpu.memory_space<semaphore_mem>>, %arg25: memref<!tpu.dma_semaphore, #tpu.memory_space<semaphore_mem>>, %arg26: memref<!tpu.dma_semaphore, #tpu.memory_space<semaphore_mem>>, %arg27: memref<!tpu.dma_semaphore, #tpu.memory_space<semaphore_mem>>, %arg28: memref<!tpu.dma_semaphore, #tpu.memory_space<semaphore_mem>>, %arg29: memref<!tpu.dma_semaphore, #tpu.memory_space<semaphore_mem>>) attributes {dimension_semantics = [#tpu.dimension_semantics<core_parallel>, #tpu.dimension_semantics<subcore_parallel>], iteration_bounds = array<i64: 2, 16>, scalar_prefetch = 0 : i64, scratch_operands = 22 : i64, tpu.core_type = #tpu.core_type<sc_vector_subcore>, window_params = [{transform_indices = #map}, {transform_indices = #map}, {transform_indices = #map}, {transform_indices = #map}, {transform_indices = #map}, {transform_indices = #map}]} {
    %mul3A = arith.constant 2 : i32
    %mul3A_0 = arith.muli %arg1, %mul3A : i32
    %add3A = arith.addi %mul3A_0, %arg0 : i32
    %mul3A_1 = arith.constant 192 : i32
    %mul3A_2 = arith.muli %add3A, %mul3A_1 : i32
    %add3A_3 = arith.constant 10240 : i32
    %add3A_4 = arith.addi %add3A_3, %mul3A_2 : i32
    %mul3A_5 = arith.constant 192 : i32
    %mul3A_6 = arith.muli %add3A, %mul3A_5 : i32
    %mul3A_7 = arith.constant 128 : i32
    %mul3A_8 = arith.muli %mul3A_6, %mul3A_7 : i32
    tpu.enqueue_dma source(%arg4 : memref<16384xf32, #tpu.memory_space<hbm>>) target(%arg8 : memref<16384xf32, #tpu.memory_space<vmem>>) target_semaphore(%arg20 : memref<!tpu.dma_semaphore, #tpu.memory_space<semaphore_mem>>)
    tpu.enqueue_dma source(%arg6 : memref<16384xf32, #tpu.memory_space<hbm>>) target(%arg9 : memref<16384xf32, #tpu.memory_space<vmem>>) target_semaphore(%arg21 : memref<!tpu.dma_semaphore, #tpu.memory_space<semaphore_mem>>)
    %dma_start3A = tpu.memref_slice %arg5[%add3A_4] : memref<16384xf32, #tpu.memory_space<hbm>> -> memref<192xf32, #tpu.memory_space<hbm>>
    %dma_start3A_9 = tpu.memref_slice %arg5[%add3A_4] : memref<16384xf32, #tpu.memory_space<hbm>> -> memref<192xf32, #tpu.memory_space<hbm>>
    tpu.enqueue_dma source(%dma_start3A_9 : memref<192xf32, #tpu.memory_space<hbm>>) target(%arg10 : memref<192xf32, #tpu.memory_space<vmem>>) target_semaphore(%arg22 : memref<!tpu.dma_semaphore, #tpu.memory_space<semaphore_mem>>)
    %dma_start3A_10 = tpu.memref_slice %arg6[%add3A_4] : memref<16384xf32, #tpu.memory_space<hbm>> -> memref<192xf32, #tpu.memory_space<hbm>>
    %dma_start3A_11 = tpu.memref_slice %arg6[%add3A_4] : memref<16384xf32, #tpu.memory_space<hbm>> -> memref<192xf32, #tpu.memory_space<hbm>>
    tpu.enqueue_dma source(%dma_start3A_11 : memref<192xf32, #tpu.memory_space<hbm>>) target(%arg11 : memref<192xf32, #tpu.memory_space<vmem>>) target_semaphore(%arg23 : memref<!tpu.dma_semaphore, #tpu.memory_space<semaphore_mem>>)
    %add3A_12 = arith.constant 0 : i32
    %add3A_13 = arith.addi %add3A_4, %add3A_12 : i32
    %mul3A_14 = arith.constant 128 : i32
    %mul3A_15 = arith.muli %add3A_13, %mul3A_14 : i32
    %dma_start3A_16 = tpu.memref_slice %arg2[%mul3A_15] : memref<2097152xf32, #tpu.memory_space<hbm>> -> memref<8192xf32, #tpu.memory_space<hbm>>
    %dma_start3A_17 = tpu.memref_slice %arg2[%mul3A_15] : memref<2097152xf32, #tpu.memory_space<hbm>> -> memref<8192xf32, #tpu.memory_space<hbm>>
    tpu.enqueue_dma source(%dma_start3A_17 : memref<8192xf32, #tpu.memory_space<hbm>>) target(%arg12 : memref<8192xf32, #tpu.memory_space<vmem>>) target_semaphore(%arg24 : memref<!tpu.dma_semaphore, #tpu.memory_space<semaphore_mem>>)
    %dma_start3A_18 = tpu.memref_slice %arg3[%mul3A_15] : memref<2097152xf32, #tpu.memory_space<hbm>> -> memref<8192xf32, #tpu.memory_space<hbm>>
    %dma_start3A_19 = tpu.memref_slice %arg3[%mul3A_15] : memref<2097152xf32, #tpu.memory_space<hbm>> -> memref<8192xf32, #tpu.memory_space<hbm>>
    tpu.enqueue_dma source(%dma_start3A_19 : memref<8192xf32, #tpu.memory_space<hbm>>) target(%arg13 : memref<8192xf32, #tpu.memory_space<vmem>>) target_semaphore(%arg25 : memref<!tpu.dma_semaphore, #tpu.memory_space<semaphore_mem>>)
    tpu.wait_dma2 semaphore(%arg20 : memref<!tpu.dma_semaphore, #tpu.memory_space<semaphore_mem>>) src(%arg4 : memref<16384xf32, #tpu.memory_space<hbm>>) dst(%arg8 : memref<16384xf32, #tpu.memory_space<vmem>>)
    tpu.wait_dma2 semaphore(%arg21 : memref<!tpu.dma_semaphore, #tpu.memory_space<semaphore_mem>>) src(%arg6 : memref<16384xf32, #tpu.memory_space<hbm>>) dst(%arg9 : memref<16384xf32, #tpu.memory_space<vmem>>)
    %broadcast_in_dim3A = arith.constant -3.000000e+38 : f32
    %broadcast_in_dim3A_20 = vector.broadcast %broadcast_in_dim3A : f32 to vector<16xf32>
    %scan3A = arith.constant 0 : i32
    %scan3A_21 = arith.constant 64 : i32
    %scan3A_22 = arith.addi %scan3A, %scan3A_21 : i32
    %scan3A_23 = arith.constant 1 : i32
    %scan3A_24:2 = scf.for %scan3A_112 = %scan3A to %scan3A_22 step %scan3A_23 iter_args(%scan3A_113 = %broadcast_in_dim3A_20, %scan3A_114 = %broadcast_in_dim3A_20) -> (vector<16xf32>, vector<16xf32>)  : i32 {
      %mul3A_115 = arith.constant 256 : i32
      %mul3A_116 = arith.muli %scan3A_112, %mul3A_115 : i32
      %add3A_117 = arith.constant 0 : i32
      %add3A_118 = arith.addi %mul3A_116, %add3A_117 : i32
      %get3A = arith.index_cast %add3A_118 : i32 to index
      %get3A_119 = tpu.vector_load %arg8[%get3A] {strides = array<i32>} : memref<16384xf32, #tpu.memory_space<vmem>>, vector<16xf32>,
      %add3A_120 = arith.constant 0 : i32
      %add3A_121 = arith.addi %mul3A_116, %add3A_120 : i32
      %get3A_122 = arith.index_cast %add3A_121 : i32 to index
      %get3A_123 = tpu.vector_load %arg9[%get3A_122] {strides = array<i32>} : memref<16384xf32, #tpu.memory_space<vmem>>, vector<16xf32>,
      %max3A = arith.maximumf %scan3A_113, %get3A_119 : vector<16xf32>
      %sub3A = arith.subf %get3A_119, %get3A_123 : vector<16xf32>
      %max3A_124 = arith.maximumf %scan3A_114, %sub3A : vector<16xf32>
      %add3A_125 = arith.constant 16 : i32
      %add3A_126 = arith.addi %mul3A_116, %add3A_125 : i32
      %get3A_127 = arith.index_cast %add3A_126 : i32 to index
      %get3A_128 = tpu.vector_load %arg8[%get3A_127] {strides = array<i32>} : memref<16384xf32, #tpu.memory_space<vmem>>, vector<16xf32>,
      %add3A_129 = arith.constant 16 : i32
      %add3A_130 = arith.addi %mul3A_116, %add3A_129 : i32
      %get3A_131 = arith.index_cast %add3A_130 : i32 to index
      %get3A_132 = tpu.vector_load %arg9[%get3A_131] {strides = array<i32>} : memref<16384xf32, #tpu.memory_space<vmem>>, vector<16xf32>,
      %max3A_133 = arith.maximumf %max3A, %get3A_128 : vector<16xf32>
      %sub3A_134 = arith.subf %get3A_128, %get3A_132 : vector<16xf32>
      %max3A_135 = arith.maximumf %max3A_124, %sub3A_134 : vector<16xf32>
      %add3A_136 = arith.constant 32 : i32
      %add3A_137 = arith.addi %mul3A_116, %add3A_136 : i32
      %get3A_138 = arith.index_cast %add3A_137 : i32 to index
      %get3A_139 = tpu.vector_load %arg8[%get3A_138] {strides = array<i32>} : memref<16384xf32, #tpu.memory_space<vmem>>, vector<16xf32>,
      %add3A_140 = arith.constant 32 : i32
      %add3A_141 = arith.addi %mul3A_116, %add3A_140 : i32
      %get3A_142 = arith.index_cast %add3A_141 : i32 to index
      %get3A_143 = tpu.vector_load %arg9[%get3A_142] {strides = array<i32>} : memref<16384xf32, #tpu.memory_space<vmem>>, vector<16xf32>,
      %max3A_144 = arith.maximumf %max3A_133, %get3A_139 : vector<16xf32>
      %sub3A_145 = arith.subf %get3A_139, %get3A_143 : vector<16xf32>
      %max3A_146 = arith.maximumf %max3A_135, %sub3A_145 : vector<16xf32>
      %add3A_147 = arith.constant 48 : i32
      %add3A_148 = arith.addi %mul3A_116, %add3A_147 : i32
      %get3A_149 = arith.index_cast %add3A_148 : i32 to index
      %get3A_150 = tpu.vector_load %arg8[%get3A_149] {strides = array<i32>} : memref<16384xf32, #tpu.memory_space<vmem>>, vector<16xf32>,
      %add3A_151 = arith.constant 48 : i32
      %add3A_152 = arith.addi %mul3A_116, %add3A_151 : i32
      %get3A_153 = arith.index_cast %add3A_152 : i32 to index
      %get3A_154 = tpu.vector_load %arg9[%get3A_153] {strides = array<i32>} : memref<16384xf32, #tpu.memory_space<vmem>>, vector<16xf32>,
      %max3A_155 = arith.maximumf %max3A_144, %get3A_150 : vector<16xf32>
      %sub3A_156 = arith.subf %get3A_150, %get3A_154 : vector<16xf32>
      %max3A_157 = arith.maximumf %max3A_146, %sub3A_156 : vector<16xf32>
      %add3A_158 = arith.constant 64 : i32
      %add3A_159 = arith.addi %mul3A_116, %add3A_158 : i32
      %get3A_160 = arith.index_cast %add3A_159 : i32 to index
      %get3A_161 = tpu.vector_load %arg8[%get3A_160] {strides = array<i32>} : memref<16384xf32, #tpu.memory_space<vmem>>, vector<16xf32>,
      %add3A_162 = arith.constant 64 : i32
      %add3A_163 = arith.addi %mul3A_116, %add3A_162 : i32
      %get3A_164 = arith.index_cast %add3A_163 : i32 to index
      %get3A_165 = tpu.vector_load %arg9[%get3A_164] {strides = array<i32>} : memref<16384xf32, #tpu.memory_space<vmem>>, vector<16xf32>,
      %max3A_166 = arith.maximumf %max3A_155, %get3A_161 : vector<16xf32>
      %sub3A_167 = arith.subf %get3A_161, %get3A_165 : vector<16xf32>
      %max3A_168 = arith.maximumf %max3A_157, %sub3A_167 : vector<16xf32>
      %add3A_169 = arith.constant 80 : i32
      %add3A_170 = arith.addi %mul3A_116, %add3A_169 : i32
      %get3A_171 = arith.index_cast %add3A_170 : i32 to index
      %get3A_172 = tpu.vector_load %arg8[%get3A_171] {strides = array<i32>} : memref<16384xf32, #tpu.memory_space<vmem>>, vector<16xf32>,
      %add3A_173 = arith.constant 80 : i32
      %add3A_174 = arith.addi %mul3A_116, %add3A_173 : i32
      %get3A_175 = arith.index_cast %add3A_174 : i32 to index
      %get3A_176 = tpu.vector_load %arg9[%get3A_175] {strides = array<i32>} : memref<16384xf32, #tpu.memory_space<vmem>>, vector<16xf32>,
      %max3A_177 = arith.maximumf %max3A_166, %get3A_172 : vector<16xf32>
      %sub3A_178 = arith.subf %get3A_172, %get3A_176 : vector<16xf32>
      %max3A_179 = arith.maximumf %max3A_168, %sub3A_178 : vector<16xf32>
      %add3A_180 = arith.constant 96 : i32
      %add3A_181 = arith.addi %mul3A_116, %add3A_180 : i32
      %get3A_182 = arith.index_cast %add3A_181 : i32 to index
      %get3A_183 = tpu.vector_load %arg8[%get3A_182] {strides = array<i32>} : memref<16384xf32, #tpu.memory_space<vmem>>, vector<16xf32>,
      %add3A_184 = arith.constant 96 : i32
      %add3A_185 = arith.addi %mul3A_116, %add3A_184 : i32
      %get3A_186 = arith.index_cast %add3A_185 : i32 to index
      %get3A_187 = tpu.vector_load %arg9[%get3A_186] {strides = array<i32>} : memref<16384xf32, #tpu.memory_space<vmem>>, vector<16xf32>,
      %max3A_188 = arith.maximumf %max3A_177, %get3A_183 : vector<16xf32>
      %sub3A_189 = arith.subf %get3A_183, %get3A_187 : vector<16xf32>
      %max3A_190 = arith.maximumf %max3A_179, %sub3A_189 : vector<16xf32>
      %add3A_191 = arith.constant 112 : i32
      %add3A_192 = arith.addi %mul3A_116, %add3A_191 : i32
      %get3A_193 = arith.index_cast %add3A_192 : i32 to index
      %get3A_194 = tpu.vector_load %arg8[%get3A_193] {strides = array<i32>} : memref<16384xf32, #tpu.memory_space<vmem>>, vector<16xf32>,
      %add3A_195 = arith.constant 112 : i32
      %add3A_196 = arith.addi %mul3A_116, %add3A_195 : i32
      %get3A_197 = arith.index_cast %add3A_196 : i32 to index
      %get3A_198 = tpu.vector_load %arg9[%get3A_197] {strides = array<i32>} : memref<16384xf32, #tpu.memory_space<vmem>>, vector<16xf32>,
      %max3A_199 = arith.maximumf %max3A_188, %get3A_194 : vector<16xf32>
      %sub3A_200 = arith.subf %get3A_194, %get3A_198 : vector<16xf32>
      %max3A_201 = arith.maximumf %max3A_190, %sub3A_200 : vector<16xf32>
      %add3A_202 = arith.constant 128 : i32
      %add3A_203 = arith.addi %mul3A_116, %add3A_202 : i32
      %get3A_204 = arith.index_cast %add3A_203 : i32 to index
      %get3A_205 = tpu.vector_load %arg8[%get3A_204] {strides = array<i32>} : memref<16384xf32, #tpu.memory_space<vmem>>, vector<16xf32>,
      %add3A_206 = arith.constant 128 : i32
      %add3A_207 = arith.addi %mul3A_116, %add3A_206 : i32
      %get3A_208 = arith.index_cast %add3A_207 : i32 to index
      %get3A_209 = tpu.vector_load %arg9[%get3A_208] {strides = array<i32>} : memref<16384xf32, #tpu.memory_space<vmem>>, vector<16xf32>,
      %max3A_210 = arith.maximumf %max3A_199, %get3A_205 : vector<16xf32>
      %sub3A_211 = arith.subf %get3A_205, %get3A_209 : vector<16xf32>
      %max3A_212 = arith.maximumf %max3A_201, %sub3A_211 : vector<16xf32>
      %add3A_213 = arith.constant 144 : i32
      %add3A_214 = arith.addi %mul3A_116, %add3A_213 : i32
      %get3A_215 = arith.index_cast %add3A_214 : i32 to index
      %get3A_216 = tpu.vector_load %arg8[%get3A_215] {strides = array<i32>} : memref<16384xf32, #tpu.memory_space<vmem>>, vector<16xf32>,
      %add3A_217 = arith.constant 144 : i32
      %add3A_218 = arith.addi %mul3A_116, %add3A_217 : i32
      %get3A_219 = arith.index_cast %add3A_218 : i32 to index
      %get3A_220 = tpu.vector_load %arg9[%get3A_219] {strides = array<i32>} : memref<16384xf32, #tpu.memory_space<vmem>>, vector<16xf32>,
      %max3A_221 = arith.maximumf %max3A_210, %get3A_216 : vector<16xf32>
      %sub3A_222 = arith.subf %get3A_216, %get3A_220 : vector<16xf32>
      %max3A_223 = arith.maximumf %max3A_212, %sub3A_222 : vector<16xf32>
      %add3A_224 = arith.constant 160 : i32
      %add3A_225 = arith.addi %mul3A_116, %add3A_224 : i32
      %get3A_226 = arith.index_cast %add3A_225 : i32 to index
      %get3A_227 = tpu.vector_load %arg8[%get3A_226] {strides = array<i32>} : memref<16384xf32, #tpu.memory_space<vmem>>, vector<16xf32>,
      %add3A_228 = arith.constant 160 : i32
      %add3A_229 = arith.addi %mul3A_116, %add3A_228 : i32
      %get3A_230 = arith.index_cast %add3A_229 : i32 to index
      %get3A_231 = tpu.vector_load %arg9[%get3A_230] {strides = array<i32>} : memref<16384xf32, #tpu.memory_space<vmem>>, vector<16xf32>,
      %max3A_232 = arith.maximumf %max3A_221, %get3A_227 : vector<16xf32>
      %sub3A_233 = arith.subf %get3A_227, %get3A_231 : vector<16xf32>
      %max3A_234 = arith.maximumf %max3A_223, %sub3A_233 : vector<16xf32>
      %add3A_235 = arith.constant 176 : i32
      %add3A_236 = arith.addi %mul3A_116, %add3A_235 : i32
      %get3A_237 = arith.index_cast %add3A_236 : i32 to index
      %get3A_238 = tpu.vector_load %arg8[%get3A_237] {strides = array<i32>} : memref<16384xf32, #tpu.memory_space<vmem>>, vector<16xf32>,
      %add3A_239 = arith.constant 176 : i32
      %add3A_240 = arith.addi %mul3A_116, %add3A_239 : i32
      %get3A_241 = arith.index_cast %add3A_240 : i32 to index
      %get3A_242 = tpu.vector_load %arg9[%get3A_241] {strides = array<i32>} : memref<16384xf32, #tpu.memory_space<vmem>>, vector<16xf32>,
      %max3A_243 = arith.maximumf %max3A_232, %get3A_238 : vector<16xf32>
      %sub3A_244 = arith.subf %get3A_238, %get3A_242 : vector<16xf32>
      %max3A_245 = arith.maximumf %max3A_234, %sub3A_244 : vector<16xf32>
      %add3A_246 = arith.constant 192 : i32
      %add3A_247 = arith.addi %mul3A_116, %add3A_246 : i32
      %get3A_248 = arith.index_cast %add3A_247 : i32 to index
      %get3A_249 = tpu.vector_load %arg8[%get3A_248] {strides = array<i32>} : memref<16384xf32, #tpu.memory_space<vmem>>, vector<16xf32>,
      %add3A_250 = arith.constant 192 : i32
      %add3A_251 = arith.addi %mul3A_116, %add3A_250 : i32
      %get3A_252 = arith.index_cast %add3A_251 : i32 to index
      %get3A_253 = tpu.vector_load %arg9[%get3A_252] {strides = array<i32>} : memref<16384xf32, #tpu.memory_space<vmem>>, vector<16xf32>,
      %max3A_254 = arith.maximumf %max3A_243, %get3A_249 : vector<16xf32>
      %sub3A_255 = arith.subf %get3A_249, %get3A_253 : vector<16xf32>
      %max3A_256 = arith.maximumf %max3A_245, %sub3A_255 : vector<16xf32>
      %add3A_257 = arith.constant 208 : i32
      %add3A_258 = arith.addi %mul3A_116, %add3A_257 : i32
      %get3A_259 = arith.index_cast %add3A_258 : i32 to index
      %get3A_260 = tpu.vector_load %arg8[%get3A_259] {strides = array<i32>} : memref<16384xf32, #tpu.memory_space<vmem>>, vector<16xf32>,
      %add3A_261 = arith.constant 208 : i32
      %add3A_262 = arith.addi %mul3A_116, %add3A_261 : i32
      %get3A_263 = arith.index_cast %add3A_262 : i32 to index
      %get3A_264 = tpu.vector_load %arg9[%get3A_263] {strides = array<i32>} : memref<16384xf32, #tpu.memory_space<vmem>>, vector<16xf32>,
      %max3A_265 = arith.maximumf %max3A_254, %get3A_260 : vector<16xf32>
      %sub3A_266 = arith.subf %get3A_260, %get3A_264 : vector<16xf32>
      %max3A_267 = arith.maximumf %max3A_256, %sub3A_266 : vector<16xf32>
      %add3A_268 = arith.constant 224 : i32
      %add3A_269 = arith.addi %mul3A_116, %add3A_268 : i32
      %get3A_270 = arith.index_cast %add3A_269 : i32 to index
      %get3A_271 = tpu.vector_load %arg8[%get3A_270] {strides = array<i32>} : memref<16384xf32, #tpu.memory_space<vmem>>, vector<16xf32>,
      %add3A_272 = arith.constant 224 : i32
      %add3A_273 = arith.addi %mul3A_116, %add3A_272 : i32
      %get3A_274 = arith.index_cast %add3A_273 : i32 to index
      %get3A_275 = tpu.vector_load %arg9[%get3A_274] {strides = array<i32>} : memref<16384xf32, #tpu.memory_space<vmem>>, vector<16xf32>,
      %max3A_276 = arith.maximumf %max3A_265, %get3A_271 : vector<16xf32>
      %sub3A_277 = arith.subf %get3A_271, %get3A_275 : vector<16xf32>
      %max3A_278 = arith.maximumf %max3A_267, %sub3A_277 : vector<16xf32>
      %add3A_279 = arith.constant 240 : i32
      %add3A_280 = arith.addi %mul3A_116, %add3A_279 : i32
      %get3A_281 = arith.index_cast %add3A_280 : i32 to index
      %get3A_282 = tpu.vector_load %arg8[%get3A_281] {strides = array<i32>} : memref<16384xf32, #tpu.memory_space<vmem>>, vector<16xf32>,
      %add3A_283 = arith.constant 240 : i32
      %add3A_284 = arith.addi %mul3A_116, %add3A_283 : i32
      %get3A_285 = arith.index_cast %add3A_284 : i32 to index
      %get3A_286 = tpu.vector_load %arg9[%get3A_285] {strides = array<i32>} : memref<16384xf32, #tpu.memory_space<vmem>>, vector<16xf32>,
      %max3A_287 = arith.maximumf %max3A_276, %get3A_282 : vector<16xf32>
      %sub3A_288 = arith.subf %get3A_282, %get3A_286 : vector<16xf32>
      %max3A_289 = arith.maximumf %max3A_278, %sub3A_288 : vector<16xf32>
      scf.yield %max3A_287, %max3A_289 : vector<16xf32>, vector<16xf32>
    }
    %scan3A_25 = arith.constant 64 : i32
    %reduce_max3A = arith.constant true
    %reduce_max3A_26 = vector.broadcast %reduce_max3A : i1 to vector<16xi1>
    %reduce_max3A_27 = tpu.scan <max>, %scan3A_24#0 masked %reduce_max3A_26 : vector<16xf32>, vector<16xi1> -> vector<16xf32>
    %reduce_max3A_28 = vector.extract %reduce_max3A_27[15] : f32 from vector<16xf32>
    %reduce_max3A_29 = arith.constant true
    %reduce_max3A_30 = vector.broadcast %reduce_max3A_29 : i1 to vector<16xi1>
    %reduce_max3A_31 = tpu.scan <max>, %scan3A_24#1 masked %reduce_max3A_30 : vector<16xf32>, vector<16xi1> -> vector<16xf32>
    %reduce_max3A_32 = vector.extract %reduce_max3A_31[15] : f32 from vector<16xf32>
    %dma_wait3A = tpu.memref_slice %arg5[%add3A_4] : memref<16384xf32, #tpu.memory_space<hbm>> -> memref<192xf32, #tpu.memory_space<hbm>>
    %dma_wait3A_33 = tpu.memref_slice %arg5[%add3A_4] : memref<16384xf32, #tpu.memory_space<hbm>> -> memref<192xf32, #tpu.memory_space<hbm>>
    tpu.wait_dma2 semaphore(%arg22 : memref<!tpu.dma_semaphore, #tpu.memory_space<semaphore_mem>>) src(%dma_wait3A_33 : memref<192xf32, #tpu.memory_space<hbm>>) dst(%arg10 : memref<192xf32, #tpu.memory_space<vmem>>)
    %dma_wait3A_34 = tpu.memref_slice %arg6[%add3A_4] : memref<16384xf32, #tpu.memory_space<hbm>> -> memref<192xf32, #tpu.memory_space<hbm>>
    %dma_wait3A_35 = tpu.memref_slice %arg6[%add3A_4] : memref<16384xf32, #tpu.memory_space<hbm>> -> memref<192xf32, #tpu.memory_space<hbm>>
    tpu.wait_dma2 semaphore(%arg23 : memref<!tpu.dma_semaphore, #tpu.memory_space<semaphore_mem>>) src(%dma_wait3A_35 : memref<192xf32, #tpu.memory_space<hbm>>) dst(%arg11 : memref<192xf32, #tpu.memory_space<vmem>>)
    %broadcast_in_dim3A_36 = vector.broadcast %reduce_max3A_28 : f32 to vector<16xf32>
    %broadcast_in_dim3A_37 = vector.broadcast %reduce_max3A_32 : f32 to vector<16xf32>
    %scan3A_38 = arith.constant 0 : i32
    %scan3A_39 = arith.constant 0 : i32
    %scan3A_40 = arith.constant 12 : i32
    %scan3A_41 = arith.addi %scan3A_39, %scan3A_40 : i32
    %scan3A_42 = arith.constant 1 : i32
    %scan3A_43 = scf.for %scan3A_112 = %scan3A_39 to %scan3A_41 step %scan3A_42 iter_args(%scan3A_113 = %scan3A_38) -> (i32)  : i32 {
      %mul3A_114 = arith.constant 16 : i32
      %mul3A_115 = arith.muli %scan3A_112, %mul3A_114 : i32
      %get3A = arith.index_cast %mul3A_115 : i32 to index
      %get3A_116 = tpu.vector_load %arg10[%get3A] {strides = array<i32>} : memref<192xf32, #tpu.memory_space<vmem>>, vector<16xf32>,
      %min3A = arith.minimumf %get3A_116, %broadcast_in_dim3A_37 : vector<16xf32>
      %mul3A_117 = arith.constant 16 : i32
      %mul3A_118 = arith.muli %scan3A_112, %mul3A_117 : i32
      %get3A_119 = arith.index_cast %mul3A_118 : i32 to index
      %get3A_120 = tpu.vector_load %arg11[%get3A_119] {strides = array<i32>} : memref<192xf32, #tpu.memory_space<vmem>>, vector<16xf32>,
      %min3A_121 = arith.minimumf %get3A_120, %broadcast_in_dim3A_36 : vector<16xf32>
      %slice3A = vector.extract_strided_slice %min3A {offsets = [0], sizes = [1], strides = [1]} : vector<16xf32> to vector<1xf32>
      %squeeze3A = vector.extract %slice3A[0] : f32 from vector<1xf32>
      %broadcast_in_dim3A_122 = vector.broadcast %squeeze3A : f32 to vector<16xf32>
      %mul3A_123 = arith.constant 16 : i32
      %mul3A_124 = arith.muli %scan3A_112, %mul3A_123 : i32
      %add3A_125 = arith.constant 0 : i32
      %add3A_126 = arith.addi %mul3A_124, %add3A_125 : i32
      %mul3A_127 = arith.constant 16 : i32
      %mul3A_128 = arith.muli %add3A_126, %mul3A_127 : i32
      %swap3A = arith.index_cast %mul3A_128 : i32 to index
      %swap3A_129 = tpu.vector_load %arg18[%swap3A] {strides = array<i32>} : memref<3072xf32, #tpu.memory_space<vmem>>, vector<16xf32>,
      tpu.vector_store %arg18[%swap3A], %broadcast_in_dim3A_122 {strides = array<i32>} : memref<3072xf32, #tpu.memory_space<vmem>>, vector<16xf32>,
      %slice3A_130 = vector.extract_strided_slice %min3A_121 {offsets = [0], sizes = [1], strides = [1]} : vector<16xf32> to vector<1xf32>
      %squeeze3A_131 = vector.extract %slice3A_130[0] : f32 from vector<1xf32>
      %broadcast_in_dim3A_132 = vector.broadcast %squeeze3A_131 : f32 to vector<16xf32>
      %mul3A_133 = arith.constant 16 : i32
      %mul3A_134 = arith.muli %scan3A_112, %mul3A_133 : i32
      %add3A_135 = arith.constant 0 : i32
      %add3A_136 = arith.addi %mul3A_134, %add3A_135 : i32
      %mul3A_137 = arith.constant 16 : i32
      %mul3A_138 = arith.muli %add3A_136, %mul3A_137 : i32
      %swap3A_139 = arith.index_cast %mul3A_138 : i32 to index
      %swap3A_140 = tpu.vector_load %arg19[%swap3A_139] {strides = array<i32>} : memref<3072xf32, #tpu.memory_space<vmem>>, vector<16xf32>,
      tpu.vector_store %arg19[%swap3A_139], %broadcast_in_dim3A_132 {strides = array<i32>} : memref<3072xf32, #tpu.memory_space<vmem>>, vector<16xf32>,
      %slice3A_141 = vector.extract_strided_slice %min3A {offsets = [1], sizes = [1], strides = [1]} : vector<16xf32> to vector<1xf32>
      %squeeze3A_142 = vector.extract %slice3A_141[0] : f32 from vector<1xf32>
      %broadcast_in_dim3A_143 = vector.broadcast %squeeze3A_142 : f32 to vector<16xf32>
      %mul3A_144 = arith.constant 16 : i32
      %mul3A_145 = arith.muli %scan3A_112, %mul3A_144 : i32
      %add3A_146 = arith.constant 1 : i32
      %add3A_147 = arith.addi %mul3A_145, %add3A_146 : i32
      %mul3A_148 = arith.constant 16 : i32
      %mul3A_149 = arith.muli %add3A_147, %mul3A_148 : i32
      %swap3A_150 = arith.index_cast %mul3A_149 : i32 to index
      %swap3A_151 = tpu.vector_load %arg18[%swap3A_150] {strides = array<i32>} : memref<3072xf32, #tpu.memory_space<vmem>>, vector<16xf32>,
      tpu.vector_store %arg18[%swap3A_150], %broadcast_in_dim3A_143 {strides = array<i32>} : memref<3072xf32, #tpu.memory_space<vmem>>, vector<16xf32>,
      %slice3A_152 = vector.extract_strided_slice %min3A_121 {offsets = [1], sizes = [1], strides = [1]} : vector<16xf32> to vector<1xf32>
      %squeeze3A_153 = vector.extract %slice3A_152[0] : f32 from vector<1xf32>
      %broadcast_in_dim3A_154 = vector.broadcast %squeeze3A_153 : f32 to vector<16xf32>
      %mul3A_155 = arith.constant 16 : i32
      %mul3A_156 = arith.muli %scan3A_112, %mul3A_155 : i32
      %add3A_157 = arith.constant 1 : i32
      %add3A_158 = arith.addi %mul3A_156, %add3A_157 : i32
      %mul3A_159 = arith.constant 16 : i32
      %mul3A_160 = arith.muli %add3A_158, %mul3A_159 : i32
      %swap3A_161 = arith.index_cast %mul3A_160 : i32 to index
      %swap3A_162 = tpu.vector_load %arg19[%swap3A_161] {strides = array<i32>} : memref<3072xf32, #tpu.memory_space<vmem>>, vector<16xf32>,
      tpu.vector_store %arg19[%swap3A_161], %broadcast_in_dim3A_154 {strides = array<i32>} : memref<3072xf32, #tpu.memory_space<vmem>>, vector<16xf32>,
      %slice3A_163 = vector.extract_strided_slice %min3A {offsets = [2], sizes = [1], strides = [1]} : vector<16xf32> to vector<1xf32>
      %squeeze3A_164 = vector.extract %slice3A_163[0] : f32 from vector<1xf32>
      %broadcast_in_dim3A_165 = vector.broadcast %squeeze3A_164 : f32 to vector<16xf32>
      %mul3A_166 = arith.constant 16 : i32
      %mul3A_167 = arith.muli %scan3A_112, %mul3A_166 : i32
      %add3A_168 = arith.constant 2 : i32
      %add3A_169 = arith.addi %mul3A_167, %add3A_168 : i32
      %mul3A_170 = arith.constant 16 : i32
      %mul3A_171 = arith.muli %add3A_169, %mul3A_170 : i32
      %swap3A_172 = arith.index_cast %mul3A_171 : i32 to index
      %swap3A_173 = tpu.vector_load %arg18[%swap3A_172] {strides = array<i32>} : memref<3072xf32, #tpu.memory_space<vmem>>, vector<16xf32>,
      tpu.vector_store %arg18[%swap3A_172], %broadcast_in_dim3A_165 {strides = array<i32>} : memref<3072xf32, #tpu.memory_space<vmem>>, vector<16xf32>,
      %slice3A_174 = vector.extract_strided_slice %min3A_121 {offsets = [2], sizes = [1], strides = [1]} : vector<16xf32> to vector<1xf32>
      %squeeze3A_175 = vector.extract %slice3A_174[0] : f32 from vector<1xf32>
      %broadcast_in_dim3A_176 = vector.broadcast %squeeze3A_175 : f32 to vector<16xf32>
      %mul3A_177 = arith.constant 16 : i32
      %mul3A_178 = arith.muli %scan3A_112, %mul3A_177 : i32
      %add3A_179 = arith.constant 2 : i32
      %add3A_180 = arith.addi %mul3A_178, %add3A_179 : i32
      %mul3A_181 = arith.constant 16 : i32
      %mul3A_182 = arith.muli %add3A_180, %mul3A_181 : i32
      %swap3A_183 = arith.index_cast %mul3A_182 : i32 to index
      %swap3A_184 = tpu.vector_load %arg19[%swap3A_183] {strides = array<i32>} : memref<3072xf32, #tpu.memory_space<vmem>>, vector<16xf32>,
      tpu.vector_store %arg19[%swap3A_183], %broadcast_in_dim3A_176 {strides = array<i32>} : memref<3072xf32, #tpu.memory_space<vmem>>, vector<16xf32>,
      %slice3A_185 = vector.extract_strided_slice %min3A {offsets = [3], sizes = [1], strides = [1]} : vector<16xf32> to vector<1xf32>
      %squeeze3A_186 = vector.extract %slice3A_185[0] : f32 from vector<1xf32>
      %broadcast_in_dim3A_187 = vector.broadcast %squeeze3A_186 : f32 to vector<16xf32>
      %mul3A_188 = arith.constant 16 : i32
      %mul3A_189 = arith.muli %scan3A_112, %mul3A_188 : i32
      %add3A_190 = arith.constant 3 : i32
      %add3A_191 = arith.addi %mul3A_189, %add3A_190 : i32
      %mul3A_192 = arith.constant 16 : i32
      %mul3A_193 = arith.muli %add3A_191, %mul3A_192 : i32
      %swap3A_194 = arith.index_cast %mul3A_193 : i32 to index
      %swap3A_195 = tpu.vector_load %arg18[%swap3A_194] {strides = array<i32>} : memref<3072xf32, #tpu.memory_space<vmem>>, vector<16xf32>,
      tpu.vector_store %arg18[%swap3A_194], %broadcast_in_dim3A_187 {strides = array<i32>} : memref<3072xf32, #tpu.memory_space<vmem>>, vector<16xf32>,
      %slice3A_196 = vector.extract_strided_slice %min3A_121 {offsets = [3], sizes = [1], strides = [1]} : vector<16xf32> to vector<1xf32>
      %squeeze3A_197 = vector.extract %slice3A_196[0] : f32 from vector<1xf32>
      %broadcast_in_dim3A_198 = vector.broadcast %squeeze3A_197 : f32 to vector<16xf32>
      %mul3A_199 = arith.constant 16 : i32
      %mul3A_200 = arith.muli %scan3A_112, %mul3A_199 : i32
      %add3A_201 = arith.constant 3 : i32
      %add3A_202 = arith.addi %mul3A_200, %add3A_201 : i32
      %mul3A_203 = arith.constant 16 : i32
      %mul3A_204 = arith.muli %add3A_202, %mul3A_203 : i32
      %swap3A_205 = arith.index_cast %mul3A_204 : i32 to index
      %swap3A_206 = tpu.vector_load %arg19[%swap3A_205] {strides = array<i32>} : memref<3072xf32, #tpu.memory_space<vmem>>, vector<16xf32>,
      tpu.vector_store %arg19[%swap3A_205], %broadcast_in_dim3A_198 {strides = array<i32>} : memref<3072xf32, #tpu.memory_space<vmem>>, vector<16xf32>,
      %slice3A_207 = vector.extract_strided_slice %min3A {offsets = [4], sizes = [1], strides = [1]} : vector<16xf32> to vector<1xf32>
      %squeeze3A_208 = vector.extract %slice3A_207[0] : f32 from vector<1xf32>
      %broadcast_in_dim3A_209 = vector.broadcast %squeeze3A_208 : f32 to vector<16xf32>
      %mul3A_210 = arith.constant 16 : i32
      %mul3A_211 = arith.muli %scan3A_112, %mul3A_210 : i32
      %add3A_212 = arith.constant 4 : i32
      %add3A_213 = arith.addi %mul3A_211, %add3A_212 : i32
      %mul3A_214 = arith.constant 16 : i32
      %mul3A_215 = arith.muli %add3A_213, %mul3A_214 : i32
      %swap3A_216 = arith.index_cast %mul3A_215 : i32 to index
      %swap3A_217 = tpu.vector_load %arg18[%swap3A_216] {strides = array<i32>} : memref<3072xf32, #tpu.memory_space<vmem>>, vector<16xf32>,
      tpu.vector_store %arg18[%swap3A_216], %broadcast_in_dim3A_209 {strides = array<i32>} : memref<3072xf32, #tpu.memory_space<vmem>>, vector<16xf32>,
      %slice3A_218 = vector.extract_strided_slice %min3A_121 {offsets = [4], sizes = [1], strides = [1]} : vector<16xf32> to vector<1xf32>
      %squeeze3A_219 = vector.extract %slice3A_218[0] : f32 from vector<1xf32>
      %broadcast_in_dim3A_220 = vector.broadcast %squeeze3A_219 : f32 to vector<16xf32>
      %mul3A_221 = arith.constant 16 : i32
      %mul3A_222 = arith.muli %scan3A_112, %mul3A_221 : i32
      %add3A_223 = arith.constant 4 : i32
      %add3A_224 = arith.addi %mul3A_222, %add3A_223 : i32
      %mul3A_225 = arith.constant 16 : i32
      %mul3A_226 = arith.muli %add3A_224, %mul3A_225 : i32
      %swap3A_227 = arith.index_cast %mul3A_226 : i32 to index
      %swap3A_228 = tpu.vector_load %arg19[%swap3A_227] {strides = array<i32>} : memref<3072xf32, #tpu.memory_space<vmem>>, vector<16xf32>,
      tpu.vector_store %arg19[%swap3A_227], %broadcast_in_dim3A_220 {strides = array<i32>} : memref<3072xf32, #tpu.memory_space<vmem>>, vector<16xf32>,
      %slice3A_229 = vector.extract_strided_slice %min3A {offsets = [5], sizes = [1], strides = [1]} : vector<16xf32> to vector<1xf32>
      %squeeze3A_230 = vector.extract %slice3A_229[0] : f32 from vector<1xf32>
      %broadcast_in_dim3A_231 = vector.broadcast %squeeze3A_230 : f32 to vector<16xf32>
      %mul3A_232 = arith.constant 16 : i32
      %mul3A_233 = arith.muli %scan3A_112, %mul3A_232 : i32
      %add3A_234 = arith.constant 5 : i32
      %add3A_235 = arith.addi %mul3A_233, %add3A_234 : i32
      %mul3A_236 = arith.constant 16 : i32
      %mul3A_237 = arith.muli %add3A_235, %mul3A_236 : i32
      %swap3A_238 = arith.index_cast %mul3A_237 : i32 to index
      %swap3A_239 = tpu.vector_load %arg18[%swap3A_238] {strides = array<i32>} : memref<3072xf32, #tpu.memory_space<vmem>>, vector<16xf32>,
      tpu.vector_store %arg18[%swap3A_238], %broadcast_in_dim3A_231 {strides = array<i32>} : memref<3072xf32, #tpu.memory_space<vmem>>, vector<16xf32>,
      %slice3A_240 = vector.extract_strided_slice %min3A_121 {offsets = [5], sizes = [1], strides = [1]} : vector<16xf32> to vector<1xf32>
      %squeeze3A_241 = vector.extract %slice3A_240[0] : f32 from vector<1xf32>
      %broadcast_in_dim3A_242 = vector.broadcast %squeeze3A_241 : f32 to vector<16xf32>
      %mul3A_243 = arith.constant 16 : i32
      %mul3A_244 = arith.muli %scan3A_112, %mul3A_243 : i32
      %add3A_245 = arith.constant 5 : i32
      %add3A_246 = arith.addi %mul3A_244, %add3A_245 : i32
      %mul3A_247 = arith.constant 16 : i32
      %mul3A_248 = arith.muli %add3A_246, %mul3A_247 : i32
      %swap3A_249 = arith.index_cast %mul3A_248 : i32 to index
      %swap3A_250 = tpu.vector_load %arg19[%swap3A_249] {strides = array<i32>} : memref<3072xf32, #tpu.memory_space<vmem>>, vector<16xf32>,
      tpu.vector_store %arg19[%swap3A_249], %broadcast_in_dim3A_242 {strides = array<i32>} : memref<3072xf32, #tpu.memory_space<vmem>>, vector<16xf32>,
      %slice3A_251 = vector.extract_strided_slice %min3A {offsets = [6], sizes = [1], strides = [1]} : vector<16xf32> to vector<1xf32>
      %squeeze3A_252 = vector.extract %slice3A_251[0] : f32 from vector<1xf32>
      %broadcast_in_dim3A_253 = vector.broadcast %squeeze3A_252 : f32 to vector<16xf32>
      %mul3A_254 = arith.constant 16 : i32
      %mul3A_255 = arith.muli %scan3A_112, %mul3A_254 : i32
      %add3A_256 = arith.constant 6 : i32
      %add3A_257 = arith.addi %mul3A_255, %add3A_256 : i32
      %mul3A_258 = arith.constant 16 : i32
      %mul3A_259 = arith.muli %add3A_257, %mul3A_258 : i32
      %swap3A_260 = arith.index_cast %mul3A_259 : i32 to index
      %swap3A_261 = tpu.vector_load %arg18[%swap3A_260] {strides = array<i32>} : memref<3072xf32, #tpu.memory_space<vmem>>, vector<16xf32>,
      tpu.vector_store %arg18[%swap3A_260], %broadcast_in_dim3A_253 {strides = array<i32>} : memref<3072xf32, #tpu.memory_space<vmem>>, vector<16xf32>,
      %slice3A_262 = vector.extract_strided_slice %min3A_121 {offsets = [6], sizes = [1], strides = [1]} : vector<16xf32> to vector<1xf32>
      %squeeze3A_263 = vector.extract %slice3A_262[0] : f32 from vector<1xf32>
      %broadcast_in_dim3A_264 = vector.broadcast %squeeze3A_263 : f32 to vector<16xf32>
      %mul3A_265 = arith.constant 16 : i32
      %mul3A_266 = arith.muli %scan3A_112, %mul3A_265 : i32
      %add3A_267 = arith.constant 6 : i32
      %add3A_268 = arith.addi %mul3A_266, %add3A_267 : i32
      %mul3A_269 = arith.constant 16 : i32
      %mul3A_270 = arith.muli %add3A_268, %mul3A_269 : i32
      %swap3A_271 = arith.index_cast %mul3A_270 : i32 to index
      %swap3A_272 = tpu.vector_load %arg19[%swap3A_271] {strides = array<i32>} : memref<3072xf32, #tpu.memory_space<vmem>>, vector<16xf32>,
      tpu.vector_store %arg19[%swap3A_271], %broadcast_in_dim3A_264 {strides = array<i32>} : memref<3072xf32, #tpu.memory_space<vmem>>, vector<16xf32>,
      %slice3A_273 = vector.extract_strided_slice %min3A {offsets = [7], sizes = [1], strides = [1]} : vector<16xf32> to vector<1xf32>
      %squeeze3A_274 = vector.extract %slice3A_273[0] : f32 from vector<1xf32>
      %broadcast_in_dim3A_275 = vector.broadcast %squeeze3A_274 : f32 to vector<16xf32>
      %mul3A_276 = arith.constant 16 : i32
      %mul3A_277 = arith.muli %scan3A_112, %mul3A_276 : i32
      %add3A_278 = arith.constant 7 : i32
      %add3A_279 = arith.addi %mul3A_277, %add3A_278 : i32
      %mul3A_280 = arith.constant 16 : i32
      %mul3A_281 = arith.muli %add3A_279, %mul3A_280 : i32
      %swap3A_282 = arith.index_cast %mul3A_281 : i32 to index
      %swap3A_283 = tpu.vector_load %arg18[%swap3A_282] {strides = array<i32>} : memref<3072xf32, #tpu.memory_space<vmem>>, vector<16xf32>,
      tpu.vector_store %arg18[%swap3A_282], %broadcast_in_dim3A_275 {strides = array<i32>} : memref<3072xf32, #tpu.memory_space<vmem>>, vector<16xf32>,
      %slice3A_284 = vector.extract_strided_slice %min3A_121 {offsets = [7], sizes = [1], strides = [1]} : vector<16xf32> to vector<1xf32>
      %squeeze3A_285 = vector.extract %slice3A_284[0] : f32 from vector<1xf32>
      %broadcast_in_dim3A_286 = vector.broadcast %squeeze3A_285 : f32 to vector<16xf32>
      %mul3A_287 = arith.constant 16 : i32
      %mul3A_288 = arith.muli %scan3A_112, %mul3A_287 : i32
      %add3A_289 = arith.constant 7 : i32
      %add3A_290 = arith.addi %mul3A_288, %add3A_289 : i32
      %mul3A_291 = arith.constant 16 : i32
      %mul3A_292 = arith.muli %add3A_290, %mul3A_291 : i32
      %swap3A_293 = arith.index_cast %mul3A_292 : i32 to index
      %swap3A_294 = tpu.vector_load %arg19[%swap3A_293] {strides = array<i32>} : memref<3072xf32, #tpu.memory_space<vmem>>, vector<16xf32>,
      tpu.vector_store %arg19[%swap3A_293], %broadcast_in_dim3A_286 {strides = array<i32>} : memref<3072xf32, #tpu.memory_space<vmem>>, vector<16xf32>,
      %slice3A_295 = vector.extract_strided_slice %min3A {offsets = [8], sizes = [1], strides = [1]} : vector<16xf32> to vector<1xf32>
      %squeeze3A_296 = vector.extract %slice3A_295[0] : f32 from vector<1xf32>
      %broadcast_in_dim3A_297 = vector.broadcast %squeeze3A_296 : f32 to vector<16xf32>
      %mul3A_298 = arith.constant 16 : i32
      %mul3A_299 = arith.muli %scan3A_112, %mul3A_298 : i32
      %add3A_300 = arith.constant 8 : i32
      %add3A_301 = arith.addi %mul3A_299, %add3A_300 : i32
      %mul3A_302 = arith.constant 16 : i32
      %mul3A_303 = arith.muli %add3A_301, %mul3A_302 : i32
      %swap3A_304 = arith.index_cast %mul3A_303 : i32 to index
      %swap3A_305 = tpu.vector_load %arg18[%swap3A_304] {strides = array<i32>} : memref<3072xf32, #tpu.memory_space<vmem>>, vector<16xf32>,
      tpu.vector_store %arg18[%swap3A_304], %broadcast_in_dim3A_297 {strides = array<i32>} : memref<3072xf32, #tpu.memory_space<vmem>>, vector<16xf32>,
      %slice3A_306 = vector.extract_strided_slice %min3A_121 {offsets = [8], sizes = [1], strides = [1]} : vector<16xf32> to vector<1xf32>
      %squeeze3A_307 = vector.extract %slice3A_306[0] : f32 from vector<1xf32>
      %broadcast_in_dim3A_308 = vector.broadcast %squeeze3A_307 : f32 to vector<16xf32>
      %mul3A_309 = arith.constant 16 : i32
      %mul3A_310 = arith.muli %scan3A_112, %mul3A_309 : i32
      %add3A_311 = arith.constant 8 : i32
      %add3A_312 = arith.addi %mul3A_310, %add3A_311 : i32
      %mul3A_313 = arith.constant 16 : i32
      %mul3A_314 = arith.muli %add3A_312, %mul3A_313 : i32
      %swap3A_315 = arith.index_cast %mul3A_314 : i32 to index
      %swap3A_316 = tpu.vector_load %arg19[%swap3A_315] {strides = array<i32>} : memref<3072xf32, #tpu.memory_space<vmem>>, vector<16xf32>,
      tpu.vector_store %arg19[%swap3A_315], %broadcast_in_dim3A_308 {strides = array<i32>} : memref<3072xf32, #tpu.memory_space<vmem>>, vector<16xf32>,
      %slice3A_317 = vector.extract_strided_slice %min3A {offsets = [9], sizes = [1], strides = [1]} : vector<16xf32> to vector<1xf32>
      %squeeze3A_318 = vector.extract %slice3A_317[0] : f32 from vector<1xf32>
      %broadcast_in_dim3A_319 = vector.broadcast %squeeze3A_318 : f32 to vector<16xf32>
      %mul3A_320 = arith.constant 16 : i32
      %mul3A_321 = arith.muli %scan3A_112, %mul3A_320 : i32
      %add3A_322 = arith.constant 9 : i32
      %add3A_323 = arith.addi %mul3A_321, %add3A_322 : i32
      %mul3A_324 = arith.constant 16 : i32
      %mul3A_325 = arith.muli %add3A_323, %mul3A_324 : i32
      %swap3A_326 = arith.index_cast %mul3A_325 : i32 to index
      %swap3A_327 = tpu.vector_load %arg18[%swap3A_326] {strides = array<i32>} : memref<3072xf32, #tpu.memory_space<vmem>>, vector<16xf32>,
      tpu.vector_store %arg18[%swap3A_326], %broadcast_in_dim3A_319 {strides = array<i32>} : memref<3072xf32, #tpu.memory_space<vmem>>, vector<16xf32>,
      %slice3A_328 = vector.extract_strided_slice %min3A_121 {offsets = [9], sizes = [1], strides = [1]} : vector<16xf32> to vector<1xf32>
      %squeeze3A_329 = vector.extract %slice3A_328[0] : f32 from vector<1xf32>
      %broadcast_in_dim3A_330 = vector.broadcast %squeeze3A_329 : f32 to vector<16xf32>
      %mul3A_331 = arith.constant 16 : i32
      %mul3A_332 = arith.muli %scan3A_112, %mul3A_331 : i32
      %add3A_333 = arith.constant 9 : i32
      %add3A_334 = arith.addi %mul3A_332, %add3A_333 : i32
      %mul3A_335 = arith.constant 16 : i32
      %mul3A_336 = arith.muli %add3A_334, %mul3A_335 : i32
      %swap3A_337 = arith.index_cast %mul3A_336 : i32 to index
      %swap3A_338 = tpu.vector_load %arg19[%swap3A_337] {strides = array<i32>} : memref<3072xf32, #tpu.memory_space<vmem>>, vector<16xf32>,
      tpu.vector_store %arg19[%swap3A_337], %broadcast_in_dim3A_330 {strides = array<i32>} : memref<3072xf32, #tpu.memory_space<vmem>>, vector<16xf32>,
      %slice3A_339 = vector.extract_strided_slice %min3A {offsets = [10], sizes = [1], strides = [1]} : vector<16xf32> to vector<1xf32>
      %squeeze3A_340 = vector.extract %slice3A_339[0] : f32 from vector<1xf32>
      %broadcast_in_dim3A_341 = vector.broadcast %squeeze3A_340 : f32 to vector<16xf32>
      %mul3A_342 = arith.constant 16 : i32
      %mul3A_343 = arith.muli %scan3A_112, %mul3A_342 : i32
      %add3A_344 = arith.constant 10 : i32
      %add3A_345 = arith.addi %mul3A_343, %add3A_344 : i32
      %mul3A_346 = arith.constant 16 : i32
      %mul3A_347 = arith.muli %add3A_345, %mul3A_346 : i32
      %swap3A_348 = arith.index_cast %mul3A_347 : i32 to index
      %swap3A_349 = tpu.vector_load %arg18[%swap3A_348] {strides = array<i32>} : memref<3072xf32, #tpu.memory_space<vmem>>, vector<16xf32>,
      tpu.vector_store %arg18[%swap3A_348], %broadcast_in_dim3A_341 {strides = array<i32>} : memref<3072xf32, #tpu.memory_space<vmem>>, vector<16xf32>,
      %slice3A_350 = vector.extract_strided_slice %min3A_121 {offsets = [10], sizes = [1], strides = [1]} : vector<16xf32> to vector<1xf32>
      %squeeze3A_351 = vector.extract %slice3A_350[0] : f32 from vector<1xf32>
      %broadcast_in_dim3A_352 = vector.broadcast %squeeze3A_351 : f32 to vector<16xf32>
      %mul3A_353 = arith.constant 16 : i32
      %mul3A_354 = arith.muli %scan3A_112, %mul3A_353 : i32
      %add3A_355 = arith.constant 10 : i32
      %add3A_356 = arith.addi %mul3A_354, %add3A_355 : i32
      %mul3A_357 = arith.constant 16 : i32
      %mul3A_358 = arith.muli %add3A_356, %mul3A_357 : i32
      %swap3A_359 = arith.index_cast %mul3A_358 : i32 to index
      %swap3A_360 = tpu.vector_load %arg19[%swap3A_359] {strides = array<i32>} : memref<3072xf32, #tpu.memory_space<vmem>>, vector<16xf32>,
      tpu.vector_store %arg19[%swap3A_359], %broadcast_in_dim3A_352 {strides = array<i32>} : memref<3072xf32, #tpu.memory_space<vmem>>, vector<16xf32>,
      %slice3A_361 = vector.extract_strided_slice %min3A {offsets = [11], sizes = [1], strides = [1]} : vector<16xf32> to vector<1xf32>
      %squeeze3A_362 = vector.extract %slice3A_361[0] : f32 from vector<1xf32>
      %broadcast_in_dim3A_363 = vector.broadcast %squeeze3A_362 : f32 to vector<16xf32>
      %mul3A_364 = arith.constant 16 : i32
      %mul3A_365 = arith.muli %scan3A_112, %mul3A_364 : i32
      %add3A_366 = arith.constant 11 : i32
      %add3A_367 = arith.addi %mul3A_365, %add3A_366 : i32
      %mul3A_368 = arith.constant 16 : i32
      %mul3A_369 = arith.muli %add3A_367, %mul3A_368 : i32
      %swap3A_370 = arith.index_cast %mul3A_369 : i32 to index
      %swap3A_371 = tpu.vector_load %arg18[%swap3A_370] {strides = array<i32>} : memref<3072xf32, #tpu.memory_space<vmem>>, vector<16xf32>,
      tpu.vector_store %arg18[%swap3A_370], %broadcast_in_dim3A_363 {strides = array<i32>} : memref<3072xf32, #tpu.memory_space<vmem>>, vector<16xf32>,
      %slice3A_372 = vector.extract_strided_slice %min3A_121 {offsets = [11], sizes = [1], strides = [1]} : vector<16xf32> to vector<1xf32>
      %squeeze3A_373 = vector.extract %slice3A_372[0] : f32 from vector<1xf32>
      %broadcast_in_dim3A_374 = vector.broadcast %squeeze3A_373 : f32 to vector<16xf32>
      %mul3A_375 = arith.constant 16 : i32
      %mul3A_376 = arith.muli %scan3A_112, %mul3A_375 : i32
      %add3A_377 = arith.constant 11 : i32
      %add3A_378 = arith.addi %mul3A_376, %add3A_377 : i32
      %mul3A_379 = arith.constant 16 : i32
      %mul3A_380 = arith.muli %add3A_378, %mul3A_379 : i32
      %swap3A_381 = arith.index_cast %mul3A_380 : i32 to index
      %swap3A_382 = tpu.vector_load %arg19[%swap3A_381] {strides = array<i32>} : memref<3072xf32, #tpu.memory_space<vmem>>, vector<16xf32>,
      tpu.vector_store %arg19[%swap3A_381], %broadcast_in_dim3A_374 {strides = array<i32>} : memref<3072xf32, #tpu.memory_space<vmem>>, vector<16xf32>,
      %slice3A_383 = vector.extract_strided_slice %min3A {offsets = [12], sizes = [1], strides = [1]} : vector<16xf32> to vector<1xf32>
      %squeeze3A_384 = vector.extract %slice3A_383[0] : f32 from vector<1xf32>
      %broadcast_in_dim3A_385 = vector.broadcast %squeeze3A_384 : f32 to vector<16xf32>
      %mul3A_386 = arith.constant 16 : i32
      %mul3A_387 = arith.muli %scan3A_112, %mul3A_386 : i32
      %add3A_388 = arith.constant 12 : i32
      %add3A_389 = arith.addi %mul3A_387, %add3A_388 : i32
      %mul3A_390 = arith.constant 16 : i32
      %mul3A_391 = arith.muli %add3A_389, %mul3A_390 : i32
      %swap3A_392 = arith.index_cast %mul3A_391 : i32 to index
      %swap3A_393 = tpu.vector_load %arg18[%swap3A_392] {strides = array<i32>} : memref<3072xf32, #tpu.memory_space<vmem>>, vector<16xf32>,
      tpu.vector_store %arg18[%swap3A_392], %broadcast_in_dim3A_385 {strides = array<i32>} : memref<3072xf32, #tpu.memory_space<vmem>>, vector<16xf32>,
      %slice3A_394 = vector.extract_strided_slice %min3A_121 {offsets = [12], sizes = [1], strides = [1]} : vector<16xf32> to vector<1xf32>
      %squeeze3A_395 = vector.extract %slice3A_394[0] : f32 from vector<1xf32>
      %broadcast_in_dim3A_396 = vector.broadcast %squeeze3A_395 : f32 to vector<16xf32>
      %mul3A_397 = arith.constant 16 : i32
      %mul3A_398 = arith.muli %scan3A_112, %mul3A_397 : i32
      %add3A_399 = arith.constant 12 : i32
      %add3A_400 = arith.addi %mul3A_398, %add3A_399 : i32
      %mul3A_401 = arith.constant 16 : i32
      %mul3A_402 = arith.muli %add3A_400, %mul3A_401 : i32
      %swap3A_403 = arith.index_cast %mul3A_402 : i32 to index
      %swap3A_404 = tpu.vector_load %arg19[%swap3A_403] {strides = array<i32>} : memref<3072xf32, #tpu.memory_space<vmem>>, vector<16xf32>,
      tpu.vector_store %arg19[%swap3A_403], %broadcast_in_dim3A_396 {strides = array<i32>} : memref<3072xf32, #tpu.memory_space<vmem>>, vector<16xf32>,
      %slice3A_405 = vector.extract_strided_slice %min3A {offsets = [13], sizes = [1], strides = [1]} : vector<16xf32> to vector<1xf32>
      %squeeze3A_406 = vector.extract %slice3A_405[0] : f32 from vector<1xf32>
      %broadcast_in_dim3A_407 = vector.broadcast %squeeze3A_406 : f32 to vector<16xf32>
      %mul3A_408 = arith.constant 16 : i32
      %mul3A_409 = arith.muli %scan3A_112, %mul3A_408 : i32
      %add3A_410 = arith.constant 13 : i32
      %add3A_411 = arith.addi %mul3A_409, %add3A_410 : i32
      %mul3A_412 = arith.constant 16 : i32
      %mul3A_413 = arith.muli %add3A_411, %mul3A_412 : i32
      %swap3A_414 = arith.index_cast %mul3A_413 : i32 to index
      %swap3A_415 = tpu.vector_load %arg18[%swap3A_414] {strides = array<i32>} : memref<3072xf32, #tpu.memory_space<vmem>>, vector<16xf32>,
      tpu.vector_store %arg18[%swap3A_414], %broadcast_in_dim3A_407 {strides = array<i32>} : memref<3072xf32, #tpu.memory_space<vmem>>, vector<16xf32>,
      %slice3A_416 = vector.extract_strided_slice %min3A_121 {offsets = [13], sizes = [1], strides = [1]} : vector<16xf32> to vector<1xf32>
      %squeeze3A_417 = vector.extract %slice3A_416[0] : f32 from vector<1xf32>
      %broadcast_in_dim3A_418 = vector.broadcast %squeeze3A_417 : f32 to vector<16xf32>
      %mul3A_419 = arith.constant 16 : i32
      %mul3A_420 = arith.muli %scan3A_112, %mul3A_419 : i32
      %add3A_421 = arith.constant 13 : i32
      %add3A_422 = arith.addi %mul3A_420, %add3A_421 : i32
      %mul3A_423 = arith.constant 16 : i32
      %mul3A_424 = arith.muli %add3A_422, %mul3A_423 : i32
      %swap3A_425 = arith.index_cast %mul3A_424 : i32 to index
      %swap3A_426 = tpu.vector_load %arg19[%swap3A_425] {strides = array<i32>} : memref<3072xf32, #tpu.memory_space<vmem>>, vector<16xf32>,
      tpu.vector_store %arg19[%swap3A_425], %broadcast_in_dim3A_418 {strides = array<i32>} : memref<3072xf32, #tpu.memory_space<vmem>>, vector<16xf32>,
      %slice3A_427 = vector.extract_strided_slice %min3A {offsets = [14], sizes = [1], strides = [1]} : vector<16xf32> to vector<1xf32>
      %squeeze3A_428 = vector.extract %slice3A_427[0] : f32 from vector<1xf32>
      %broadcast_in_dim3A_429 = vector.broadcast %squeeze3A_428 : f32 to vector<16xf32>
      %mul3A_430 = arith.constant 16 : i32
      %mul3A_431 = arith.muli %scan3A_112, %mul3A_430 : i32
      %add3A_432 = arith.constant 14 : i32
      %add3A_433 = arith.addi %mul3A_431, %add3A_432 : i32
      %mul3A_434 = arith.constant 16 : i32
      %mul3A_435 = arith.muli %add3A_433, %mul3A_434 : i32
      %swap3A_436 = arith.index_cast %mul3A_435 : i32 to index
      %swap3A_437 = tpu.vector_load %arg18[%swap3A_436] {strides = array<i32>} : memref<3072xf32, #tpu.memory_space<vmem>>, vector<16xf32>,
      tpu.vector_store %arg18[%swap3A_436], %broadcast_in_dim3A_429 {strides = array<i32>} : memref<3072xf32, #tpu.memory_space<vmem>>, vector<16xf32>,
      %slice3A_438 = vector.extract_strided_slice %min3A_121 {offsets = [14], sizes = [1], strides = [1]} : vector<16xf32> to vector<1xf32>
      %squeeze3A_439 = vector.extract %slice3A_438[0] : f32 from vector<1xf32>
      %broadcast_in_dim3A_440 = vector.broadcast %squeeze3A_439 : f32 to vector<16xf32>
      %mul3A_441 = arith.constant 16 : i32
      %mul3A_442 = arith.muli %scan3A_112, %mul3A_441 : i32
      %add3A_443 = arith.constant 14 : i32
      %add3A_444 = arith.addi %mul3A_442, %add3A_443 : i32
      %mul3A_445 = arith.constant 16 : i32
      %mul3A_446 = arith.muli %add3A_444, %mul3A_445 : i32
      %swap3A_447 = arith.index_cast %mul3A_446 : i32 to index
      %swap3A_448 = tpu.vector_load %arg19[%swap3A_447] {strides = array<i32>} : memref<3072xf32, #tpu.memory_space<vmem>>, vector<16xf32>,
      tpu.vector_store %arg19[%swap3A_447], %broadcast_in_dim3A_440 {strides = array<i32>} : memref<3072xf32, #tpu.memory_space<vmem>>, vector<16xf32>,
      %slice3A_449 = vector.extract_strided_slice %min3A {offsets = [15], sizes = [1], strides = [1]} : vector<16xf32> to vector<1xf32>
      %squeeze3A_450 = vector.extract %slice3A_449[0] : f32 from vector<1xf32>
      %broadcast_in_dim3A_451 = vector.broadcast %squeeze3A_450 : f32 to vector<16xf32>
      %mul3A_452 = arith.constant 16 : i32
      %mul3A_453 = arith.muli %scan3A_112, %mul3A_452 : i32
      %add3A_454 = arith.constant 15 : i32
      %add3A_455 = arith.addi %mul3A_453, %add3A_454 : i32
      %mul3A_456 = arith.constant 16 : i32
      %mul3A_457 = arith.muli %add3A_455, %mul3A_456 : i32
      %swap3A_458 = arith.index_cast %mul3A_457 : i32 to index
      %swap3A_459 = tpu.vector_load %arg18[%swap3A_458] {strides = array<i32>} : memref<3072xf32, #tpu.memory_space<vmem>>, vector<16xf32>,
      tpu.vector_store %arg18[%swap3A_458], %broadcast_in_dim3A_451 {strides = array<i32>} : memref<3072xf32, #tpu.memory_space<vmem>>, vector<16xf32>,
      %slice3A_460 = vector.extract_strided_slice %min3A_121 {offsets = [15], sizes = [1], strides = [1]} : vector<16xf32> to vector<1xf32>
      %squeeze3A_461 = vector.extract %slice3A_460[0] : f32 from vector<1xf32>
      %broadcast_in_dim3A_462 = vector.broadcast %squeeze3A_461 : f32 to vector<16xf32>
      %mul3A_463 = arith.constant 16 : i32
      %mul3A_464 = arith.muli %scan3A_112, %mul3A_463 : i32
      %add3A_465 = arith.constant 15 : i32
      %add3A_466 = arith.addi %mul3A_464, %add3A_465 : i32
      %mul3A_467 = arith.constant 16 : i32
      %mul3A_468 = arith.muli %add3A_466, %mul3A_467 : i32
      %swap3A_469 = arith.index_cast %mul3A_468 : i32 to index
      %swap3A_470 = tpu.vector_load %arg19[%swap3A_469] {strides = array<i32>} : memref<3072xf32, #tpu.memory_space<vmem>>, vector<16xf32>,
      tpu.vector_store %arg19[%swap3A_469], %broadcast_in_dim3A_462 {strides = array<i32>} : memref<3072xf32, #tpu.memory_space<vmem>>, vector<16xf32>,
      %scan3A_471 = arith.constant 0 : i32
      scf.yield %scan3A_471 : i32
    }
    %scan3A_44 = arith.constant 12 : i32
    %add3A_45 = arith.constant 64 : i32
    %add3A_46 = arith.addi %add3A_4, %add3A_45 : i32
    %mul3A_47 = arith.constant 128 : i32
    %mul3A_48 = arith.muli %add3A_46, %mul3A_47 : i32
    %dma_start3A_49 = tpu.memref_slice %arg2[%mul3A_48] : memref<2097152xf32, #tpu.memory_space<hbm>> -> memref<8192xf32, #tpu.memory_space<hbm>>
    %dma_start3A_50 = tpu.memref_slice %arg2[%mul3A_48] : memref<2097152xf32, #tpu.memory_space<hbm>> -> memref<8192xf32, #tpu.memory_space<hbm>>
    tpu.enqueue_dma source(%dma_start3A_50 : memref<8192xf32, #tpu.memory_space<hbm>>) target(%arg15 : memref<8192xf32, #tpu.memory_space<vmem>>) target_semaphore(%arg27 : memref<!tpu.dma_semaphore, #tpu.memory_space<semaphore_mem>>)
    %dma_start3A_51 = tpu.memref_slice %arg3[%mul3A_48] : memref<2097152xf32, #tpu.memory_space<hbm>> -> memref<8192xf32, #tpu.memory_space<hbm>>
    %dma_start3A_52 = tpu.memref_slice %arg3[%mul3A_48] : memref<2097152xf32, #tpu.memory_space<hbm>> -> memref<8192xf32, #tpu.memory_space<hbm>>
    tpu.enqueue_dma source(%dma_start3A_52 : memref<8192xf32, #tpu.memory_space<hbm>>) target(%arg16 : memref<8192xf32, #tpu.memory_space<vmem>>) target_semaphore(%arg28 : memref<!tpu.dma_semaphore, #tpu.memory_space<semaphore_mem>>)
    %dma_wait3A_53 = tpu.memref_slice %arg2[%mul3A_15] : memref<2097152xf32, #tpu.memory_space<hbm>> -> memref<8192xf32, #tpu.memory_space<hbm>>
    %dma_wait3A_54 = tpu.memref_slice %arg2[%mul3A_15] : memref<2097152xf32, #tpu.memory_space<hbm>> -> memref<8192xf32, #tpu.memory_space<hbm>>
    tpu.wait_dma2 semaphore(%arg24 : memref<!tpu.dma_semaphore, #tpu.memory_space<semaphore_mem>>) src(%dma_wait3A_54 : memref<8192xf32, #tpu.memory_space<hbm>>) dst(%arg12 : memref<8192xf32, #tpu.memory_space<vmem>>)
    %dma_wait3A_55 = tpu.memref_slice %arg3[%mul3A_15] : memref<2097152xf32, #tpu.memory_space<hbm>> -> memref<8192xf32, #tpu.memory_space<hbm>>
    %dma_wait3A_56 = tpu.memref_slice %arg3[%mul3A_15] : memref<2097152xf32, #tpu.memory_space<hbm>> -> memref<8192xf32, #tpu.memory_space<hbm>>
    tpu.wait_dma2 semaphore(%arg25 : memref<!tpu.dma_semaphore, #tpu.memory_space<semaphore_mem>>) src(%dma_wait3A_56 : memref<8192xf32, #tpu.memory_space<hbm>>) dst(%arg13 : memref<8192xf32, #tpu.memory_space<vmem>>)
    %scan3A_57 = arith.constant 0 : i32
    %scan3A_58 = arith.constant 0 : i32
    %scan3A_59 = arith.constant 64 : i32
    %scan3A_60 = arith.addi %scan3A_58, %scan3A_59 : i32
    %scan3A_61 = arith.constant 1 : i32
    %scan3A_62 = scf.for %scan3A_112 = %scan3A_58 to %scan3A_60 step %scan3A_61 iter_args(%scan3A_113 = %scan3A_57) -> (i32)  : i32 {
      %add3A_114 = arith.constant 0 : i32
      %add3A_115 = arith.addi %add3A_114, %scan3A_112 : i32
      %mul3A_116 = arith.constant 16 : i32
      %mul3A_117 = arith.muli %add3A_115, %mul3A_116 : i32
      %get3A = arith.index_cast %mul3A_117 : i32 to index
      %get3A_118 = tpu.vector_load %arg18[%get3A] {strides = array<i32>} : memref<3072xf32, #tpu.memory_space<vmem>>, vector<16xf32>,
      %add3A_119 = arith.constant 0 : i32
      %add3A_120 = arith.addi %add3A_119, %scan3A_112 : i32
      %mul3A_121 = arith.constant 16 : i32
      %mul3A_122 = arith.muli %add3A_120, %mul3A_121 : i32
      %get3A_123 = arith.index_cast %mul3A_122 : i32 to index
      %get3A_124 = tpu.vector_load %arg19[%get3A_123] {strides = array<i32>} : memref<3072xf32, #tpu.memory_space<vmem>>, vector<16xf32>,
      %mul3A_125 = arith.constant 128 : i32
      %mul3A_126 = arith.muli %scan3A_112, %mul3A_125 : i32
      %add3A_127 = arith.constant 0 : i32
      %add3A_128 = arith.addi %mul3A_126, %add3A_127 : i32
      %get3A_129 = arith.index_cast %add3A_128 : i32 to index
      %get3A_130 = tpu.vector_load %arg12[%get3A_129] {strides = array<i32>} : memref<8192xf32, #tpu.memory_space<vmem>>, vector<16xf32>,
      %mul3A_131 = arith.mulf %get3A_130, %get3A_118 : vector<16xf32>
      %get3A_132 = arith.index_cast %add3A_128 : i32 to index
      %get3A_133 = tpu.vector_load %arg13[%get3A_132] {strides = array<i32>} : memref<8192xf32, #tpu.memory_space<vmem>>, vector<16xf32>,
      %mul3A_134 = arith.mulf %get3A_133, %get3A_124 : vector<16xf32>
      %add3A_135 = arith.addf %mul3A_131, %mul3A_134 : vector<16xf32>
      %swap3A = arith.index_cast %add3A_128 : i32 to index
      %swap3A_136 = tpu.vector_load %arg14[%swap3A] {strides = array<i32>} : memref<8192xf32, #tpu.memory_space<vmem>>, vector<16xf32>,
      tpu.vector_store %arg14[%swap3A], %add3A_135 {strides = array<i32>} : memref<8192xf32, #tpu.memory_space<vmem>>, vector<16xf32>,
      %mul3A_137 = arith.constant 128 : i32
      %mul3A_138 = arith.muli %scan3A_112, %mul3A_137 : i32
      %add3A_139 = arith.constant 16 : i32
      %add3A_140 = arith.addi %mul3A_138, %add3A_139 : i32
      %get3A_141 = arith.index_cast %add3A_140 : i32 to index
      %get3A_142 = tpu.vector_load %arg12[%get3A_141] {strides = array<i32>} : memref<8192xf32, #tpu.memory_space<vmem>>, vector<16xf32>,
      %mul3A_143 = arith.mulf %get3A_142, %get3A_118 : vector<16xf32>
      %get3A_144 = arith.index_cast %add3A_140 : i32 to index
      %get3A_145 = tpu.vector_load %arg13[%get3A_144] {strides = array<i32>} : memref<8192xf32, #tpu.memory_space<vmem>>, vector<16xf32>,
      %mul3A_146 = arith.mulf %get3A_145, %get3A_124 : vector<16xf32>
      %add3A_147 = arith.addf %mul3A_143, %mul3A_146 : vector<16xf32>
      %swap3A_148 = arith.index_cast %add3A_140 : i32 to index
      %swap3A_149 = tpu.vector_load %arg14[%swap3A_148] {strides = array<i32>} : memref<8192xf32, #tpu.memory_space<vmem>>, vector<16xf32>,
      tpu.vector_store %arg14[%swap3A_148], %add3A_147 {strides = array<i32>} : memref<8192xf32, #tpu.memory_space<vmem>>, vector<16xf32>,
      %mul3A_150 = arith.constant 128 : i32
      %mul3A_151 = arith.muli %scan3A_112, %mul3A_150 : i32
      %add3A_152 = arith.constant 32 : i32
      %add3A_153 = arith.addi %mul3A_151, %add3A_152 : i32
      %get3A_154 = arith.index_cast %add3A_153 : i32 to index
      %get3A_155 = tpu.vector_load %arg12[%get3A_154] {strides = array<i32>} : memref<8192xf32, #tpu.memory_space<vmem>>, vector<16xf32>,
      %mul3A_156 = arith.mulf %get3A_155, %get3A_118 : vector<16xf32>
      %get3A_157 = arith.index_cast %add3A_153 : i32 to index
      %get3A_158 = tpu.vector_load %arg13[%get3A_157] {strides = array<i32>} : memref<8192xf32, #tpu.memory_space<vmem>>, vector<16xf32>,
      %mul3A_159 = arith.mulf %get3A_158, %get3A_124 : vector<16xf32>
      %add3A_160 = arith.addf %mul3A_156, %mul3A_159 : vector<16xf32>
      %swap3A_161 = arith.index_cast %add3A_153 : i32 to index
      %swap3A_162 = tpu.vector_load %arg14[%swap3A_161] {strides = array<i32>} : memref<8192xf32, #tpu.memory_space<vmem>>, vector<16xf32>,
      tpu.vector_store %arg14[%swap3A_161], %add3A_160 {strides = array<i32>} : memref<8192xf32, #tpu.memory_space<vmem>>, vector<16xf32>,
      %mul3A_163 = arith.constant 128 : i32
      %mul3A_164 = arith.muli %scan3A_112, %mul3A_163 : i32
      %add3A_165 = arith.constant 48 : i32
      %add3A_166 = arith.addi %mul3A_164, %add3A_165 : i32
      %get3A_167 = arith.index_cast %add3A_166 : i32 to index
      %get3A_168 = tpu.vector_load %arg12[%get3A_167] {strides = array<i32>} : memref<8192xf32, #tpu.memory_space<vmem>>, vector<16xf32>,
      %mul3A_169 = arith.mulf %get3A_168, %get3A_118 : vector<16xf32>
      %get3A_170 = arith.index_cast %add3A_166 : i32 to index
      %get3A_171 = tpu.vector_load %arg13[%get3A_170] {strides = array<i32>} : memref<8192xf32, #tpu.memory_space<vmem>>, vector<16xf32>,
      %mul3A_172 = arith.mulf %get3A_171, %get3A_124 : vector<16xf32>
      %add3A_173 = arith.addf %mul3A_169, %mul3A_172 : vector<16xf32>
      %swap3A_174 = arith.index_cast %add3A_166 : i32 to index
      %swap3A_175 = tpu.vector_load %arg14[%swap3A_174] {strides = array<i32>} : memref<8192xf32, #tpu.memory_space<vmem>>, vector<16xf32>,
      tpu.vector_store %arg14[%swap3A_174], %add3A_173 {strides = array<i32>} : memref<8192xf32, #tpu.memory_space<vmem>>, vector<16xf32>,
      %mul3A_176 = arith.constant 128 : i32
      %mul3A_177 = arith.muli %scan3A_112, %mul3A_176 : i32
      %add3A_178 = arith.constant 64 : i32
      %add3A_179 = arith.addi %mul3A_177, %add3A_178 : i32
      %get3A_180 = arith.index_cast %add3A_179 : i32 to index
      %get3A_181 = tpu.vector_load %arg12[%get3A_180] {strides = array<i32>} : memref<8192xf32, #tpu.memory_space<vmem>>, vector<16xf32>,
      %mul3A_182 = arith.mulf %get3A_181, %get3A_118 : vector<16xf32>
      %get3A_183 = arith.index_cast %add3A_179 : i32 to index
      %get3A_184 = tpu.vector_load %arg13[%get3A_183] {strides = array<i32>} : memref<8192xf32, #tpu.memory_space<vmem>>, vector<16xf32>,
      %mul3A_185 = arith.mulf %get3A_184, %get3A_124 : vector<16xf32>
      %add3A_186 = arith.addf %mul3A_182, %mul3A_185 : vector<16xf32>
      %swap3A_187 = arith.index_cast %add3A_179 : i32 to index
      %swap3A_188 = tpu.vector_load %arg14[%swap3A_187] {strides = array<i32>} : memref<8192xf32, #tpu.memory_space<vmem>>, vector<16xf32>,
      tpu.vector_store %arg14[%swap3A_187], %add3A_186 {strides = array<i32>} : memref<8192xf32, #tpu.memory_space<vmem>>, vector<16xf32>,
      %mul3A_189 = arith.constant 128 : i32
      %mul3A_190 = arith.muli %scan3A_112, %mul3A_189 : i32
      %add3A_191 = arith.constant 80 : i32
      %add3A_192 = arith.addi %mul3A_190, %add3A_191 : i32
      %get3A_193 = arith.index_cast %add3A_192 : i32 to index
      %get3A_194 = tpu.vector_load %arg12[%get3A_193] {strides = array<i32>} : memref<8192xf32, #tpu.memory_space<vmem>>, vector<16xf32>,
      %mul3A_195 = arith.mulf %get3A_194, %get3A_118 : vector<16xf32>
      %get3A_196 = arith.index_cast %add3A_192 : i32 to index
      %get3A_197 = tpu.vector_load %arg13[%get3A_196] {strides = array<i32>} : memref<8192xf32, #tpu.memory_space<vmem>>, vector<16xf32>,
      %mul3A_198 = arith.mulf %get3A_197, %get3A_124 : vector<16xf32>
      %add3A_199 = arith.addf %mul3A_195, %mul3A_198 : vector<16xf32>
      %swap3A_200 = arith.index_cast %add3A_192 : i32 to index
      %swap3A_201 = tpu.vector_load %arg14[%swap3A_200] {strides = array<i32>} : memref<8192xf32, #tpu.memory_space<vmem>>, vector<16xf32>,
      tpu.vector_store %arg14[%swap3A_200], %add3A_199 {strides = array<i32>} : memref<8192xf32, #tpu.memory_space<vmem>>, vector<16xf32>,
      %mul3A_202 = arith.constant 128 : i32
      %mul3A_203 = arith.muli %scan3A_112, %mul3A_202 : i32
      %add3A_204 = arith.constant 96 : i32
      %add3A_205 = arith.addi %mul3A_203, %add3A_204 : i32
      %get3A_206 = arith.index_cast %add3A_205 : i32 to index
      %get3A_207 = tpu.vector_load %arg12[%get3A_206] {strides = array<i32>} : memref<8192xf32, #tpu.memory_space<vmem>>, vector<16xf32>,
      %mul3A_208 = arith.mulf %get3A_207, %get3A_118 : vector<16xf32>
      %get3A_209 = arith.index_cast %add3A_205 : i32 to index
      %get3A_210 = tpu.vector_load %arg13[%get3A_209] {strides = array<i32>} : memref<8192xf32, #tpu.memory_space<vmem>>, vector<16xf32>,
      %mul3A_211 = arith.mulf %get3A_210, %get3A_124 : vector<16xf32>
      %add3A_212 = arith.addf %mul3A_208, %mul3A_211 : vector<16xf32>
      %swap3A_213 = arith.index_cast %add3A_205 : i32 to index
      %swap3A_214 = tpu.vector_load %arg14[%swap3A_213] {strides = array<i32>} : memref<8192xf32, #tpu.memory_space<vmem>>, vector<16xf32>,
      tpu.vector_store %arg14[%swap3A_213], %add3A_212 {strides = array<i32>} : memref<8192xf32, #tpu.memory_space<vmem>>, vector<16xf32>,
      %mul3A_215 = arith.constant 128 : i32
      %mul3A_216 = arith.muli %scan3A_112, %mul3A_215 : i32
      %add3A_217 = arith.constant 112 : i32
      %add3A_218 = arith.addi %mul3A_216, %add3A_217 : i32
      %get3A_219 = arith.index_cast %add3A_218 : i32 to index
      %get3A_220 = tpu.vector_load %arg12[%get3A_219] {strides = array<i32>} : memref<8192xf32, #tpu.memory_space<vmem>>, vector<16xf32>,
      %mul3A_221 = arith.mulf %get3A_220, %get3A_118 : vector<16xf32>
      %get3A_222 = arith.index_cast %add3A_218 : i32 to index
      %get3A_223 = tpu.vector_load %arg13[%get3A_222] {strides = array<i32>} : memref<8192xf32, #tpu.memory_space<vmem>>, vector<16xf32>,
      %mul3A_224 = arith.mulf %get3A_223, %get3A_124 : vector<16xf32>
      %add3A_225 = arith.addf %mul3A_221, %mul3A_224 : vector<16xf32>
      %swap3A_226 = arith.index_cast %add3A_218 : i32 to index
      %swap3A_227 = tpu.vector_load %arg14[%swap3A_226] {strides = array<i32>} : memref<8192xf32, #tpu.memory_space<vmem>>, vector<16xf32>,
      tpu.vector_store %arg14[%swap3A_226], %add3A_225 {strides = array<i32>} : memref<8192xf32, #tpu.memory_space<vmem>>, vector<16xf32>,
      %scan3A_228 = arith.constant 0 : i32
      scf.yield %scan3A_228 : i32
    }
    %scan3A_63 = arith.constant 64 : i32
    %add3A_64 = arith.constant 0 : i32
    %add3A_65 = arith.addi %mul3A_8, %add3A_64 : i32
    %dma_start3A_66 = tpu.memref_slice %arg7[%add3A_65] : memref<786432xf32, #tpu.memory_space<hbm>> -> memref<8192xf32, #tpu.memory_space<hbm>>
    %dma_start3A_67 = tpu.memref_slice %arg7[%add3A_65] : memref<786432xf32, #tpu.memory_space<hbm>> -> memref<8192xf32, #tpu.memory_space<hbm>>
    tpu.enqueue_dma source(%arg14 : memref<8192xf32, #tpu.memory_space<vmem>>) target(%dma_start3A_67 : memref<8192xf32, #tpu.memory_space<hbm>>) target_semaphore(%arg26 : memref<!tpu.dma_semaphore, #tpu.memory_space<semaphore_mem>>)
    %add3A_68 = arith.constant 128 : i32
    %add3A_69 = arith.addi %add3A_4, %add3A_68 : i32
    %mul3A_70 = arith.constant 128 : i32
    %mul3A_71 = arith.muli %add3A_69, %mul3A_70 : i32
    %dma_start3A_72 = tpu.memref_slice %arg2[%mul3A_71] : memref<2097152xf32, #tpu.memory_space<hbm>> -> memref<8192xf32, #tpu.memory_space<hbm>>
    %dma_start3A_73 = tpu.memref_slice %arg2[%mul3A_71] : memref<2097152xf32, #tpu.memory_space<hbm>> -> memref<8192xf32, #tpu.memory_space<hbm>>
    tpu.enqueue_dma source(%dma_start3A_73 : memref<8192xf32, #tpu.memory_space<hbm>>) target(%arg12 : memref<8192xf32, #tpu.memory_space<vmem>>) target_semaphore(%arg24 : memref<!tpu.dma_semaphore, #tpu.memory_space<semaphore_mem>>)
    %dma_start3A_74 = tpu.memref_slice %arg3[%mul3A_71] : memref<2097152xf32, #tpu.memory_space<hbm>> -> memref<8192xf32, #tpu.memory_space<hbm>>
    %dma_start3A_75 = tpu.memref_slice %arg3[%mul3A_71] : memref<2097152xf32, #tpu.memory_space<hbm>> -> memref<8192xf32, #tpu.memory_space<hbm>>
    tpu.enqueue_dma source(%dma_start3A_75 : memref<8192xf32, #tpu.memory_space<hbm>>) target(%arg13 : memref<8192xf32, #tpu.memory_space<vmem>>) target_semaphore(%arg25 : memref<!tpu.dma_semaphore, #tpu.memory_space<semaphore_mem>>)
    %dma_wait3A_76 = tpu.memref_slice %arg2[%mul3A_48] : memref<2097152xf32, #tpu.memory_space<hbm>> -> memref<8192xf32, #tpu.memory_space<hbm>>
    %dma_wait3A_77 = tpu.memref_slice %arg2[%mul3A_48] : memref<2097152xf32, #tpu.memory_space<hbm>> -> memref<8192xf32, #tpu.memory_space<hbm>>
    tpu.wait_dma2 semaphore(%arg27 : memref<!tpu.dma_semaphore, #tpu.memory_space<semaphore_mem>>) src(%dma_wait3A_77 : memref<8192xf32, #tpu.memory_space<hbm>>) dst(%arg15 : memref<8192xf32, #tpu.memory_space<vmem>>)
    %dma_wait3A_78 = tpu.memref_slice %arg3[%mul3A_48] : memref<2097152xf32, #tpu.memory_space<hbm>> -> memref<8192xf32, #tpu.memory_space<hbm>>
    %dma_wait3A_79 = tpu.memref_slice %arg3[%mul3A_48] : memref<2097152xf32, #tpu.memory_space<hbm>> -> memref<8192xf32, #tpu.memory_space<hbm>>
    tpu.wait_dma2 semaphore(%arg28 : memref<!tpu.dma_semaphore, #tpu.memory_space<semaphore_mem>>) src(%dma_wait3A_79 : memref<8192xf32, #tpu.memory_space<hbm>>) dst(%arg16 : memref<8192xf32, #tpu.memory_space<vmem>>)
    %scan3A_80 = arith.constant 0 : i32
    %scan3A_81 = arith.constant 0 : i32
    %scan3A_82 = arith.constant 64 : i32
    %scan3A_83 = arith.addi %scan3A_81, %scan3A_82 : i32
    %scan3A_84 = arith.constant 1 : i32
    %scan3A_85 = scf.for %scan3A_112 = %scan3A_81 to %scan3A_83 step %scan3A_84 iter_args(%scan3A_113 = %scan3A_80) -> (i32)  : i32 {
      %add3A_114 = arith.constant 64 : i32
      %add3A_115 = arith.addi %add3A_114, %scan3A_112 : i32
      %mul3A_116 = arith.constant 16 : i32
      %mul3A_117 = arith.muli %add3A_115, %mul3A_116 : i32
      %get3A = arith.index_cast %mul3A_117 : i32 to index
      %get3A_118 = tpu.vector_load %arg18[%get3A] {strides = array<i32>} : memref<3072xf32, #tpu.memory_space<vmem>>, vector<16xf32>,
      %add3A_119 = arith.constant 64 : i32
      %add3A_120 = arith.addi %add3A_119, %scan3A_112 : i32
      %mul3A_121 = arith.constant 16 : i32
      %mul3A_122 = arith.muli %add3A_120, %mul3A_121 : i32
      %get3A_123 = arith.index_cast %mul3A_122 : i32 to index
      %get3A_124 = tpu.vector_load %arg19[%get3A_123] {strides = array<i32>} : memref<3072xf32, #tpu.memory_space<vmem>>, vector<16xf32>,
      %mul3A_125 = arith.constant 128 : i32
      %mul3A_126 = arith.muli %scan3A_112, %mul3A_125 : i32
      %add3A_127 = arith.constant 0 : i32
      %add3A_128 = arith.addi %mul3A_126, %add3A_127 : i32
      %get3A_129 = arith.index_cast %add3A_128 : i32 to index
      %get3A_130 = tpu.vector_load %arg15[%get3A_129] {strides = array<i32>} : memref<8192xf32, #tpu.memory_space<vmem>>, vector<16xf32>,
      %mul3A_131 = arith.mulf %get3A_130, %get3A_118 : vector<16xf32>
      %get3A_132 = arith.index_cast %add3A_128 : i32 to index
      %get3A_133 = tpu.vector_load %arg16[%get3A_132] {strides = array<i32>} : memref<8192xf32, #tpu.memory_space<vmem>>, vector<16xf32>,
      %mul3A_134 = arith.mulf %get3A_133, %get3A_124 : vector<16xf32>
      %add3A_135 = arith.addf %mul3A_131, %mul3A_134 : vector<16xf32>
      %swap3A = arith.index_cast %add3A_128 : i32 to index
      %swap3A_136 = tpu.vector_load %arg17[%swap3A] {strides = array<i32>} : memref<8192xf32, #tpu.memory_space<vmem>>, vector<16xf32>,
      tpu.vector_store %arg17[%swap3A], %add3A_135 {strides = array<i32>} : memref<8192xf32, #tpu.memory_space<vmem>>, vector<16xf32>,
      %mul3A_137 = arith.constant 128 : i32
      %mul3A_138 = arith.muli %scan3A_112, %mul3A_137 : i32
      %add3A_139 = arith.constant 16 : i32
      %add3A_140 = arith.addi %mul3A_138, %add3A_139 : i32
      %get3A_141 = arith.index_cast %add3A_140 : i32 to index
      %get3A_142 = tpu.vector_load %arg15[%get3A_141] {strides = array<i32>} : memref<8192xf32, #tpu.memory_space<vmem>>, vector<16xf32>,
      %mul3A_143 = arith.mulf %get3A_142, %get3A_118 : vector<16xf32>
      %get3A_144 = arith.index_cast %add3A_140 : i32 to index
      %get3A_145 = tpu.vector_load %arg16[%get3A_144] {strides = array<i32>} : memref<8192xf32, #tpu.memory_space<vmem>>, vector<16xf32>,
      %mul3A_146 = arith.mulf %get3A_145, %get3A_124 : vector<16xf32>
      %add3A_147 = arith.addf %mul3A_143, %mul3A_146 : vector<16xf32>
      %swap3A_148 = arith.index_cast %add3A_140 : i32 to index
      %swap3A_149 = tpu.vector_load %arg17[%swap3A_148] {strides = array<i32>} : memref<8192xf32, #tpu.memory_space<vmem>>, vector<16xf32>,
      tpu.vector_store %arg17[%swap3A_148], %add3A_147 {strides = array<i32>} : memref<8192xf32, #tpu.memory_space<vmem>>, vector<16xf32>,
      %mul3A_150 = arith.constant 128 : i32
      %mul3A_151 = arith.muli %scan3A_112, %mul3A_150 : i32
      %add3A_152 = arith.constant 32 : i32
      %add3A_153 = arith.addi %mul3A_151, %add3A_152 : i32
      %get3A_154 = arith.index_cast %add3A_153 : i32 to index
      %get3A_155 = tpu.vector_load %arg15[%get3A_154] {strides = array<i32>} : memref<8192xf32, #tpu.memory_space<vmem>>, vector<16xf32>,
      %mul3A_156 = arith.mulf %get3A_155, %get3A_118 : vector<16xf32>
      %get3A_157 = arith.index_cast %add3A_153 : i32 to index
      %get3A_158 = tpu.vector_load %arg16[%get3A_157] {strides = array<i32>} : memref<8192xf32, #tpu.memory_space<vmem>>, vector<16xf32>,
      %mul3A_159 = arith.mulf %get3A_158, %get3A_124 : vector<16xf32>
      %add3A_160 = arith.addf %mul3A_156, %mul3A_159 : vector<16xf32>
      %swap3A_161 = arith.index_cast %add3A_153 : i32 to index
      %swap3A_162 = tpu.vector_load %arg17[%swap3A_161] {strides = array<i32>} : memref<8192xf32, #tpu.memory_space<vmem>>, vector<16xf32>,
      tpu.vector_store %arg17[%swap3A_161], %add3A_160 {strides = array<i32>} : memref<8192xf32, #tpu.memory_space<vmem>>, vector<16xf32>,
      %mul3A_163 = arith.constant 128 : i32
      %mul3A_164 = arith.muli %scan3A_112, %mul3A_163 : i32
      %add3A_165 = arith.constant 48 : i32
      %add3A_166 = arith.addi %mul3A_164, %add3A_165 : i32
      %get3A_167 = arith.index_cast %add3A_166 : i32 to index
      %get3A_168 = tpu.vector_load %arg15[%get3A_167] {strides = array<i32>} : memref<8192xf32, #tpu.memory_space<vmem>>, vector<16xf32>,
      %mul3A_169 = arith.mulf %get3A_168, %get3A_118 : vector<16xf32>
      %get3A_170 = arith.index_cast %add3A_166 : i32 to index
      %get3A_171 = tpu.vector_load %arg16[%get3A_170] {strides = array<i32>} : memref<8192xf32, #tpu.memory_space<vmem>>, vector<16xf32>,
      %mul3A_172 = arith.mulf %get3A_171, %get3A_124 : vector<16xf32>
      %add3A_173 = arith.addf %mul3A_169, %mul3A_172 : vector<16xf32>
      %swap3A_174 = arith.index_cast %add3A_166 : i32 to index
      %swap3A_175 = tpu.vector_load %arg17[%swap3A_174] {strides = array<i32>} : memref<8192xf32, #tpu.memory_space<vmem>>, vector<16xf32>,
      tpu.vector_store %arg17[%swap3A_174], %add3A_173 {strides = array<i32>} : memref<8192xf32, #tpu.memory_space<vmem>>, vector<16xf32>,
      %mul3A_176 = arith.constant 128 : i32
      %mul3A_177 = arith.muli %scan3A_112, %mul3A_176 : i32
      %add3A_178 = arith.constant 64 : i32
      %add3A_179 = arith.addi %mul3A_177, %add3A_178 : i32
      %get3A_180 = arith.index_cast %add3A_179 : i32 to index
      %get3A_181 = tpu.vector_load %arg15[%get3A_180] {strides = array<i32>} : memref<8192xf32, #tpu.memory_space<vmem>>, vector<16xf32>,
      %mul3A_182 = arith.mulf %get3A_181, %get3A_118 : vector<16xf32>
      %get3A_183 = arith.index_cast %add3A_179 : i32 to index
      %get3A_184 = tpu.vector_load %arg16[%get3A_183] {strides = array<i32>} : memref<8192xf32, #tpu.memory_space<vmem>>, vector<16xf32>,
      %mul3A_185 = arith.mulf %get3A_184, %get3A_124 : vector<16xf32>
      %add3A_186 = arith.addf %mul3A_182, %mul3A_185 : vector<16xf32>
      %swap3A_187 = arith.index_cast %add3A_179 : i32 to index
      %swap3A_188 = tpu.vector_load %arg17[%swap3A_187] {strides = array<i32>} : memref<8192xf32, #tpu.memory_space<vmem>>, vector<16xf32>,
      tpu.vector_store %arg17[%swap3A_187], %add3A_186 {strides = array<i32>} : memref<8192xf32, #tpu.memory_space<vmem>>, vector<16xf32>,
      %mul3A_189 = arith.constant 128 : i32
      %mul3A_190 = arith.muli %scan3A_112, %mul3A_189 : i32
      %add3A_191 = arith.constant 80 : i32
      %add3A_192 = arith.addi %mul3A_190, %add3A_191 : i32
      %get3A_193 = arith.index_cast %add3A_192 : i32 to index
      %get3A_194 = tpu.vector_load %arg15[%get3A_193] {strides = array<i32>} : memref<8192xf32, #tpu.memory_space<vmem>>, vector<16xf32>,
      %mul3A_195 = arith.mulf %get3A_194, %get3A_118 : vector<16xf32>
      %get3A_196 = arith.index_cast %add3A_192 : i32 to index
      %get3A_197 = tpu.vector_load %arg16[%get3A_196] {strides = array<i32>} : memref<8192xf32, #tpu.memory_space<vmem>>, vector<16xf32>,
      %mul3A_198 = arith.mulf %get3A_197, %get3A_124 : vector<16xf32>
      %add3A_199 = arith.addf %mul3A_195, %mul3A_198 : vector<16xf32>
      %swap3A_200 = arith.index_cast %add3A_192 : i32 to index
      %swap3A_201 = tpu.vector_load %arg17[%swap3A_200] {strides = array<i32>} : memref<8192xf32, #tpu.memory_space<vmem>>, vector<16xf32>,
      tpu.vector_store %arg17[%swap3A_200], %add3A_199 {strides = array<i32>} : memref<8192xf32, #tpu.memory_space<vmem>>, vector<16xf32>,
      %mul3A_202 = arith.constant 128 : i32
      %mul3A_203 = arith.muli %scan3A_112, %mul3A_202 : i32
      %add3A_204 = arith.constant 96 : i32
      %add3A_205 = arith.addi %mul3A_203, %add3A_204 : i32
      %get3A_206 = arith.index_cast %add3A_205 : i32 to index
      %get3A_207 = tpu.vector_load %arg15[%get3A_206] {strides = array<i32>} : memref<8192xf32, #tpu.memory_space<vmem>>, vector<16xf32>,
      %mul3A_208 = arith.mulf %get3A_207, %get3A_118 : vector<16xf32>
      %get3A_209 = arith.index_cast %add3A_205 : i32 to index
      %get3A_210 = tpu.vector_load %arg16[%get3A_209] {strides = array<i32>} : memref<8192xf32, #tpu.memory_space<vmem>>, vector<16xf32>,
      %mul3A_211 = arith.mulf %get3A_210, %get3A_124 : vector<16xf32>
      %add3A_212 = arith.addf %mul3A_208, %mul3A_211 : vector<16xf32>
      %swap3A_213 = arith.index_cast %add3A_205 : i32 to index
      %swap3A_214 = tpu.vector_load %arg17[%swap3A_213] {strides = array<i32>} : memref<8192xf32, #tpu.memory_space<vmem>>, vector<16xf32>,
      tpu.vector_store %arg17[%swap3A_213], %add3A_212 {strides = array<i32>} : memref<8192xf32, #tpu.memory_space<vmem>>, vector<16xf32>,
      %mul3A_215 = arith.constant 128 : i32
      %mul3A_216 = arith.muli %scan3A_112, %mul3A_215 : i32
      %add3A_217 = arith.constant 112 : i32
      %add3A_218 = arith.addi %mul3A_216, %add3A_217 : i32
      %get3A_219 = arith.index_cast %add3A_218 : i32 to index
      %get3A_220 = tpu.vector_load %arg15[%get3A_219] {strides = array<i32>} : memref<8192xf32, #tpu.memory_space<vmem>>, vector<16xf32>,
      %mul3A_221 = arith.mulf %get3A_220, %get3A_118 : vector<16xf32>
      %get3A_222 = arith.index_cast %add3A_218 : i32 to index
      %get3A_223 = tpu.vector_load %arg16[%get3A_222] {strides = array<i32>} : memref<8192xf32, #tpu.memory_space<vmem>>, vector<16xf32>,
      %mul3A_224 = arith.mulf %get3A_223, %get3A_124 : vector<16xf32>
      %add3A_225 = arith.addf %mul3A_221, %mul3A_224 : vector<16xf32>
      %swap3A_226 = arith.index_cast %add3A_218 : i32 to index
      %swap3A_227 = tpu.vector_load %arg17[%swap3A_226] {strides = array<i32>} : memref<8192xf32, #tpu.memory_space<vmem>>, vector<16xf32>,
      tpu.vector_store %arg17[%swap3A_226], %add3A_225 {strides = array<i32>} : memref<8192xf32, #tpu.memory_space<vmem>>, vector<16xf32>,
      %scan3A_228 = arith.constant 0 : i32
      scf.yield %scan3A_228 : i32
    }
    %scan3A_86 = arith.constant 64 : i32
    %add3A_87 = arith.constant 8192 : i32
    %add3A_88 = arith.addi %mul3A_8, %add3A_87 : i32
    %dma_start3A_89 = tpu.memref_slice %arg7[%add3A_88] : memref<786432xf32, #tpu.memory_space<hbm>> -> memref<8192xf32, #tpu.memory_space<hbm>>
    %dma_start3A_90 = tpu.memref_slice %arg7[%add3A_88] : memref<786432xf32, #tpu.memory_space<hbm>> -> memref<8192xf32, #tpu.memory_space<hbm>>
    tpu.enqueue_dma source(%arg17 : memref<8192xf32, #tpu.memory_space<vmem>>) target(%dma_start3A_90 : memref<8192xf32, #tpu.memory_space<hbm>>) target_semaphore(%arg29 : memref<!tpu.dma_semaphore, #tpu.memory_space<semaphore_mem>>)
    %dma_wait3A_91 = tpu.memref_slice %arg2[%mul3A_71] : memref<2097152xf32, #tpu.memory_space<hbm>> -> memref<8192xf32, #tpu.memory_space<hbm>>
    %dma_wait3A_92 = tpu.memref_slice %arg2[%mul3A_71] : memref<2097152xf32, #tpu.memory_space<hbm>> -> memref<8192xf32, #tpu.memory_space<hbm>>
    tpu.wait_dma2 semaphore(%arg24 : memref<!tpu.dma_semaphore, #tpu.memory_space<semaphore_mem>>) src(%dma_wait3A_92 : memref<8192xf32, #tpu.memory_space<hbm>>) dst(%arg12 : memref<8192xf32, #tpu.memory_space<vmem>>)
    %dma_wait3A_93 = tpu.memref_slice %arg3[%mul3A_71] : memref<2097152xf32, #tpu.memory_space<hbm>> -> memref<8192xf32, #tpu.memory_space<hbm>>
    %dma_wait3A_94 = tpu.memref_slice %arg3[%mul3A_71] : memref<2097152xf32, #tpu.memory_space<hbm>> -> memref<8192xf32, #tpu.memory_space<hbm>>
    tpu.wait_dma2 semaphore(%arg25 : memref<!tpu.dma_semaphore, #tpu.memory_space<semaphore_mem>>) src(%dma_wait3A_94 : memref<8192xf32, #tpu.memory_space<hbm>>) dst(%arg13 : memref<8192xf32, #tpu.memory_space<vmem>>)
    %dma_wait3A_95 = tpu.memref_slice %arg7[%add3A_65] : memref<786432xf32, #tpu.memory_space<hbm>> -> memref<8192xf32, #tpu.memory_space<hbm>>
    %dma_wait3A_96 = tpu.memref_slice %arg7[%add3A_65] : memref<786432xf32, #tpu.memory_space<hbm>> -> memref<8192xf32, #tpu.memory_space<hbm>>
    tpu.wait_dma2 semaphore(%arg26 : memref<!tpu.dma_semaphore, #tpu.memory_space<semaphore_mem>>) src(%arg14 : memref<8192xf32, #tpu.memory_space<vmem>>) dst(%dma_wait3A_96 : memref<8192xf32, #tpu.memory_space<hbm>>)
    %scan3A_97 = arith.constant 0 : i32
    %scan3A_98 = arith.constant 0 : i32
    %scan3A_99 = arith.constant 64 : i32
    %scan3A_100 = arith.addi %scan3A_98, %scan3A_99 : i32
    %scan3A_101 = arith.constant 1 : i32
    %scan3A_102 = scf.for %scan3A_112 = %scan3A_98 to %scan3A_100 step %scan3A_101 iter_args(%scan3A_113 = %scan3A_97) -> (i32)  : i32 {
      %add3A_114 = arith.constant 128 : i32
      %add3A_115 = arith.addi %add3A_114, %scan3A_112 : i32
      %mul3A_116 = arith.constant 16 : i32
      %mul3A_117 = arith.muli %add3A_115, %mul3A_116 : i32
      %get3A = arith.index_cast %mul3A_117 : i32 to index
      %get3A_118 = tpu.vector_load %arg18[%get3A] {strides = array<i32>} : memref<3072xf32, #tpu.memory_space<vmem>>, vector<16xf32>,
      %add3A_119 = arith.constant 128 : i32
      %add3A_120 = arith.addi %add3A_119, %scan3A_112 : i32
      %mul3A_121 = arith.constant 16 : i32
      %mul3A_122 = arith.muli %add3A_120, %mul3A_121 : i32
      %get3A_123 = arith.index_cast %mul3A_122 : i32 to index
      %get3A_124 = tpu.vector_load %arg19[%get3A_123] {strides = array<i32>} : memref<3072xf32, #tpu.memory_space<vmem>>, vector<16xf32>,
      %mul3A_125 = arith.constant 128 : i32
      %mul3A_126 = arith.muli %scan3A_112, %mul3A_125 : i32
      %add3A_127 = arith.constant 0 : i32
      %add3A_128 = arith.addi %mul3A_126, %add3A_127 : i32
      %get3A_129 = arith.index_cast %add3A_128 : i32 to index
      %get3A_130 = tpu.vector_load %arg12[%get3A_129] {strides = array<i32>} : memref<8192xf32, #tpu.memory_space<vmem>>, vector<16xf32>,
      %mul3A_131 = arith.mulf %get3A_130, %get3A_118 : vector<16xf32>
      %get3A_132 = arith.index_cast %add3A_128 : i32 to index
      %get3A_133 = tpu.vector_load %arg13[%get3A_132] {strides = array<i32>} : memref<8192xf32, #tpu.memory_space<vmem>>, vector<16xf32>,
      %mul3A_134 = arith.mulf %get3A_133, %get3A_124 : vector<16xf32>
      %add3A_135 = arith.addf %mul3A_131, %mul3A_134 : vector<16xf32>
      %swap3A = arith.index_cast %add3A_128 : i32 to index
      %swap3A_136 = tpu.vector_load %arg14[%swap3A] {strides = array<i32>} : memref<8192xf32, #tpu.memory_space<vmem>>, vector<16xf32>,
      tpu.vector_store %arg14[%swap3A], %add3A_135 {strides = array<i32>} : memref<8192xf32, #tpu.memory_space<vmem>>, vector<16xf32>,
      %mul3A_137 = arith.constant 128 : i32
      %mul3A_138 = arith.muli %scan3A_112, %mul3A_137 : i32
      %add3A_139 = arith.constant 16 : i32
      %add3A_140 = arith.addi %mul3A_138, %add3A_139 : i32
      %get3A_141 = arith.index_cast %add3A_140 : i32 to index
      %get3A_142 = tpu.vector_load %arg12[%get3A_141] {strides = array<i32>} : memref<8192xf32, #tpu.memory_space<vmem>>, vector<16xf32>,
      %mul3A_143 = arith.mulf %get3A_142, %get3A_118 : vector<16xf32>
      %get3A_144 = arith.index_cast %add3A_140 : i32 to index
      %get3A_145 = tpu.vector_load %arg13[%get3A_144] {strides = array<i32>} : memref<8192xf32, #tpu.memory_space<vmem>>, vector<16xf32>,
      %mul3A_146 = arith.mulf %get3A_145, %get3A_124 : vector<16xf32>
      %add3A_147 = arith.addf %mul3A_143, %mul3A_146 : vector<16xf32>
      %swap3A_148 = arith.index_cast %add3A_140 : i32 to index
      %swap3A_149 = tpu.vector_load %arg14[%swap3A_148] {strides = array<i32>} : memref<8192xf32, #tpu.memory_space<vmem>>, vector<16xf32>,
      tpu.vector_store %arg14[%swap3A_148], %add3A_147 {strides = array<i32>} : memref<8192xf32, #tpu.memory_space<vmem>>, vector<16xf32>,
      %mul3A_150 = arith.constant 128 : i32
      %mul3A_151 = arith.muli %scan3A_112, %mul3A_150 : i32
      %add3A_152 = arith.constant 32 : i32
      %add3A_153 = arith.addi %mul3A_151, %add3A_152 : i32
      %get3A_154 = arith.index_cast %add3A_153 : i32 to index
      %get3A_155 = tpu.vector_load %arg12[%get3A_154] {strides = array<i32>} : memref<8192xf32, #tpu.memory_space<vmem>>, vector<16xf32>,
      %mul3A_156 = arith.mulf %get3A_155, %get3A_118 : vector<16xf32>
      %get3A_157 = arith.index_cast %add3A_153 : i32 to index
      %get3A_158 = tpu.vector_load %arg13[%get3A_157] {strides = array<i32>} : memref<8192xf32, #tpu.memory_space<vmem>>, vector<16xf32>,
      %mul3A_159 = arith.mulf %get3A_158, %get3A_124 : vector<16xf32>
      %add3A_160 = arith.addf %mul3A_156, %mul3A_159 : vector<16xf32>
      %swap3A_161 = arith.index_cast %add3A_153 : i32 to index
      %swap3A_162 = tpu.vector_load %arg14[%swap3A_161] {strides = array<i32>} : memref<8192xf32, #tpu.memory_space<vmem>>, vector<16xf32>,
      tpu.vector_store %arg14[%swap3A_161], %add3A_160 {strides = array<i32>} : memref<8192xf32, #tpu.memory_space<vmem>>, vector<16xf32>,
      %mul3A_163 = arith.constant 128 : i32
      %mul3A_164 = arith.muli %scan3A_112, %mul3A_163 : i32
      %add3A_165 = arith.constant 48 : i32
      %add3A_166 = arith.addi %mul3A_164, %add3A_165 : i32
      %get3A_167 = arith.index_cast %add3A_166 : i32 to index
      %get3A_168 = tpu.vector_load %arg12[%get3A_167] {strides = array<i32>} : memref<8192xf32, #tpu.memory_space<vmem>>, vector<16xf32>,
      %mul3A_169 = arith.mulf %get3A_168, %get3A_118 : vector<16xf32>
      %get3A_170 = arith.index_cast %add3A_166 : i32 to index
      %get3A_171 = tpu.vector_load %arg13[%get3A_170] {strides = array<i32>} : memref<8192xf32, #tpu.memory_space<vmem>>, vector<16xf32>,
      %mul3A_172 = arith.mulf %get3A_171, %get3A_124 : vector<16xf32>
      %add3A_173 = arith.addf %mul3A_169, %mul3A_172 : vector<16xf32>
      %swap3A_174 = arith.index_cast %add3A_166 : i32 to index
      %swap3A_175 = tpu.vector_load %arg14[%swap3A_174] {strides = array<i32>} : memref<8192xf32, #tpu.memory_space<vmem>>, vector<16xf32>,
      tpu.vector_store %arg14[%swap3A_174], %add3A_173 {strides = array<i32>} : memref<8192xf32, #tpu.memory_space<vmem>>, vector<16xf32>,
      %mul3A_176 = arith.constant 128 : i32
      %mul3A_177 = arith.muli %scan3A_112, %mul3A_176 : i32
      %add3A_178 = arith.constant 64 : i32
      %add3A_179 = arith.addi %mul3A_177, %add3A_178 : i32
      %get3A_180 = arith.index_cast %add3A_179 : i32 to index
      %get3A_181 = tpu.vector_load %arg12[%get3A_180] {strides = array<i32>} : memref<8192xf32, #tpu.memory_space<vmem>>, vector<16xf32>,
      %mul3A_182 = arith.mulf %get3A_181, %get3A_118 : vector<16xf32>
      %get3A_183 = arith.index_cast %add3A_179 : i32 to index
      %get3A_184 = tpu.vector_load %arg13[%get3A_183] {strides = array<i32>} : memref<8192xf32, #tpu.memory_space<vmem>>, vector<16xf32>,
      %mul3A_185 = arith.mulf %get3A_184, %get3A_124 : vector<16xf32>
      %add3A_186 = arith.addf %mul3A_182, %mul3A_185 : vector<16xf32>
      %swap3A_187 = arith.index_cast %add3A_179 : i32 to index
      %swap3A_188 = tpu.vector_load %arg14[%swap3A_187] {strides = array<i32>} : memref<8192xf32, #tpu.memory_space<vmem>>, vector<16xf32>,
      tpu.vector_store %arg14[%swap3A_187], %add3A_186 {strides = array<i32>} : memref<8192xf32, #tpu.memory_space<vmem>>, vector<16xf32>,
      %mul3A_189 = arith.constant 128 : i32
      %mul3A_190 = arith.muli %scan3A_112, %mul3A_189 : i32
      %add3A_191 = arith.constant 80 : i32
      %add3A_192 = arith.addi %mul3A_190, %add3A_191 : i32
      %get3A_193 = arith.index_cast %add3A_192 : i32 to index
      %get3A_194 = tpu.vector_load %arg12[%get3A_193] {strides = array<i32>} : memref<8192xf32, #tpu.memory_space<vmem>>, vector<16xf32>,
      %mul3A_195 = arith.mulf %get3A_194, %get3A_118 : vector<16xf32>
      %get3A_196 = arith.index_cast %add3A_192 : i32 to index
      %get3A_197 = tpu.vector_load %arg13[%get3A_196] {strides = array<i32>} : memref<8192xf32, #tpu.memory_space<vmem>>, vector<16xf32>,
      %mul3A_198 = arith.mulf %get3A_197, %get3A_124 : vector<16xf32>
      %add3A_199 = arith.addf %mul3A_195, %mul3A_198 : vector<16xf32>
      %swap3A_200 = arith.index_cast %add3A_192 : i32 to index
      %swap3A_201 = tpu.vector_load %arg14[%swap3A_200] {strides = array<i32>} : memref<8192xf32, #tpu.memory_space<vmem>>, vector<16xf32>,
      tpu.vector_store %arg14[%swap3A_200], %add3A_199 {strides = array<i32>} : memref<8192xf32, #tpu.memory_space<vmem>>, vector<16xf32>,
      %mul3A_202 = arith.constant 128 : i32
      %mul3A_203 = arith.muli %scan3A_112, %mul3A_202 : i32
      %add3A_204 = arith.constant 96 : i32
      %add3A_205 = arith.addi %mul3A_203, %add3A_204 : i32
      %get3A_206 = arith.index_cast %add3A_205 : i32 to index
      %get3A_207 = tpu.vector_load %arg12[%get3A_206] {strides = array<i32>} : memref<8192xf32, #tpu.memory_space<vmem>>, vector<16xf32>,
      %mul3A_208 = arith.mulf %get3A_207, %get3A_118 : vector<16xf32>
      %get3A_209 = arith.index_cast %add3A_205 : i32 to index
      %get3A_210 = tpu.vector_load %arg13[%get3A_209] {strides = array<i32>} : memref<8192xf32, #tpu.memory_space<vmem>>, vector<16xf32>,
      %mul3A_211 = arith.mulf %get3A_210, %get3A_124 : vector<16xf32>
      %add3A_212 = arith.addf %mul3A_208, %mul3A_211 : vector<16xf32>
      %swap3A_213 = arith.index_cast %add3A_205 : i32 to index
      %swap3A_214 = tpu.vector_load %arg14[%swap3A_213] {strides = array<i32>} : memref<8192xf32, #tpu.memory_space<vmem>>, vector<16xf32>,
      tpu.vector_store %arg14[%swap3A_213], %add3A_212 {strides = array<i32>} : memref<8192xf32, #tpu.memory_space<vmem>>, vector<16xf32>,
      %mul3A_215 = arith.constant 128 : i32
      %mul3A_216 = arith.muli %scan3A_112, %mul3A_215 : i32
      %add3A_217 = arith.constant 112 : i32
      %add3A_218 = arith.addi %mul3A_216, %add3A_217 : i32
      %get3A_219 = arith.index_cast %add3A_218 : i32 to index
      %get3A_220 = tpu.vector_load %arg12[%get3A_219] {strides = array<i32>} : memref<8192xf32, #tpu.memory_space<vmem>>, vector<16xf32>,
      %mul3A_221 = arith.mulf %get3A_220, %get3A_118 : vector<16xf32>
      %get3A_222 = arith.index_cast %add3A_218 : i32 to index
      %get3A_223 = tpu.vector_load %arg13[%get3A_222] {strides = array<i32>} : memref<8192xf32, #tpu.memory_space<vmem>>, vector<16xf32>,
      %mul3A_224 = arith.mulf %get3A_223, %get3A_124 : vector<16xf32>
      %add3A_225 = arith.addf %mul3A_221, %mul3A_224 : vector<16xf32>
      %swap3A_226 = arith.index_cast %add3A_218 : i32 to index
      %swap3A_227 = tpu.vector_load %arg14[%swap3A_226] {strides = array<i32>} : memref<8192xf32, #tpu.memory_space<vmem>>, vector<16xf32>,
      tpu.vector_store %arg14[%swap3A_226], %add3A_225 {strides = array<i32>} : memref<8192xf32, #tpu.memory_space<vmem>>, vector<16xf32>,
      %scan3A_228 = arith.constant 0 : i32
      scf.yield %scan3A_228 : i32
    }
    %scan3A_103 = arith.constant 64 : i32
    %add3A_104 = arith.constant 16384 : i32
    %add3A_105 = arith.addi %mul3A_8, %add3A_104 : i32
    %dma_start3A_106 = tpu.memref_slice %arg7[%add3A_105] : memref<786432xf32, #tpu.memory_space<hbm>> -> memref<8192xf32, #tpu.memory_space<hbm>>
    %dma_start3A_107 = tpu.memref_slice %arg7[%add3A_105] : memref<786432xf32, #tpu.memory_space<hbm>> -> memref<8192xf32, #tpu.memory_space<hbm>>
    tpu.enqueue_dma source(%arg14 : memref<8192xf32, #tpu.memory_space<vmem>>) target(%dma_start3A_107 : memref<8192xf32, #tpu.memory_space<hbm>>) target_semaphore(%arg26 : memref<!tpu.dma_semaphore, #tpu.memory_space<semaphore_mem>>)
    %dma_wait3A_108 = tpu.memref_slice %arg7[%add3A_105] : memref<786432xf32, #tpu.memory_space<hbm>> -> memref<8192xf32, #tpu.memory_space<hbm>>
    %dma_wait3A_109 = tpu.memref_slice %arg7[%add3A_105] : memref<786432xf32, #tpu.memory_space<hbm>> -> memref<8192xf32, #tpu.memory_space<hbm>>
    tpu.wait_dma2 semaphore(%arg26 : memref<!tpu.dma_semaphore, #tpu.memory_space<semaphore_mem>>) src(%arg14 : memref<8192xf32, #tpu.memory_space<vmem>>) dst(%dma_wait3A_109 : memref<8192xf32, #tpu.memory_space<hbm>>)
    %dma_wait3A_110 = tpu.memref_slice %arg7[%add3A_88] : memref<786432xf32, #tpu.memory_space<hbm>> -> memref<8192xf32, #tpu.memory_space<hbm>>
    %dma_wait3A_111 = tpu.memref_slice %arg7[%add3A_88] : memref<786432xf32, #tpu.memory_space<hbm>> -> memref<8192xf32, #tpu.memory_space<hbm>>
    tpu.wait_dma2 semaphore(%arg29 : memref<!tpu.dma_semaphore, #tpu.memory_space<semaphore_mem>>) src(%arg17 : memref<8192xf32, #tpu.memory_space<vmem>>) dst(%dma_wait3A_111 : memref<8192xf32, #tpu.memory_space<hbm>>)
    return
  }
}

module attributes {stable_mosaic.version = 14 : i64} {
  func.func @_tc_body(%arg0: i32, %arg1: memref<128x128xf32, #tpu.memory_space<vmem>>, %arg2: memref<128x128xf32, #tpu.memory_space<vmem>>, %arg3: memref<128x128xf32, #tpu.memory_space<vmem>>, %arg4: memref<2048x128xf32, #tpu.memory_space<vmem>>, %arg5: memref<2048x128xf32, #tpu.memory_space<vmem>>, %arg6: memref<2048x128xf32, #tpu.memory_space<vmem>>) attributes {dimension_semantics = [#tpu.dimension_semantics<arbitrary>], iteration_bounds = array<i64: 5>, scalar_prefetch = 0 : i64, scratch_operands = 0 : i64, tpu.core_type = #tpu.core_type<tc>, window_params = [{pipeline_mode = #tpu.pipeline_mode<synchronous>, transform_indices = @transform_0, window_bounds = array<i64: 128, 128>}, {pipeline_mode = #tpu.pipeline_mode<synchronous>, transform_indices = @transform_1, window_bounds = array<i64: 128, 128>}, {pipeline_mode = #tpu.pipeline_mode<synchronous>, transform_indices = @transform_2, window_bounds = array<i64: 128, 128>}, {transform_indices = @transform_3, window_bounds = array<i64: 2048, 128>}, {transform_indices = @transform_4, window_bounds = array<i64: 2048, 128>}, {transform_indices = @transform_5, window_bounds = array<i64: 2048, 128>}]} {
    %get3A = arith.constant 0 : index
    %get3A_0 = arith.constant 0 : index
    %get3A_1 = vector.load %arg1[%get3A, %get3A_0] : memref<128x128xf32, #tpu.memory_space<vmem>>, vector<128x128xf32>
    %reduce_max3A = vector.shape_cast %get3A_1 : vector<128x128xf32> to vector<1x128x128xf32>
    %reduce_max3A_2 = arith.constant dense<0xFF800000> : vector<1xf32>
    %reduce_max3A_3 = vector.multi_reduction <maximumf>, %reduce_max3A, %reduce_max3A_2 [1, 2] : vector<1x128x128xf32> to vector<1xf32>
    %reduce_max3A_4 = vector.shape_cast %reduce_max3A_3 : vector<1xf32> to vector<1x1x1xf32>
    %reduce_max3A_5 = vector.extract %reduce_max3A_4[0, 0, 0] : f32 from vector<1x1x1xf32>
    %get3A_6 = arith.constant 0 : index
    %get3A_7 = arith.constant 0 : index
    %get3A_8 = vector.load %arg3[%get3A_6, %get3A_7] : memref<128x128xf32, #tpu.memory_space<vmem>>, vector<128x128xf32>
    %sub3A = arith.subf %get3A_1, %get3A_8 : vector<128x128xf32>
    %reduce_max3A_9 = vector.shape_cast %sub3A : vector<128x128xf32> to vector<1x128x128xf32>
    %reduce_max3A_10 = arith.constant dense<0xFF800000> : vector<1xf32>
    %reduce_max3A_11 = vector.multi_reduction <maximumf>, %reduce_max3A_9, %reduce_max3A_10 [1, 2] : vector<1x128x128xf32> to vector<1xf32>
    %reduce_max3A_12 = vector.shape_cast %reduce_max3A_11 : vector<1xf32> to vector<1x1x1xf32>
    %reduce_max3A_13 = vector.extract %reduce_max3A_12[0, 0, 0] : f32 from vector<1x1x1xf32>
    %mul3A = arith.constant 16 : i32
    %mul3A_14 = arith.muli %arg0, %mul3A : i32
    %get3A_15 = arith.index_cast %mul3A_14 : i32 to index
    %get3A_16 = arith.constant 0 : index
    %get3A_17 = vector.load %arg2[%get3A_15, %get3A_16] : memref<128x128xf32, #tpu.memory_space<vmem>>, vector<16x128xf32>
    %mul3A_18 = arith.constant 16 : i32
    %mul3A_19 = arith.muli %arg0, %mul3A_18 : i32
    %get3A_20 = arith.index_cast %mul3A_19 : i32 to index
    %get3A_21 = arith.constant 0 : index
    %get3A_22 = vector.load %arg3[%get3A_20, %get3A_21] : memref<128x128xf32, #tpu.memory_space<vmem>>, vector<16x128xf32>
    %min3A = vector.broadcast %reduce_max3A_13 : f32 to vector<16x128xf32>
    %min3A_23 = arith.minimumf %get3A_17, %min3A : vector<16x128xf32>
    %transpose3A = tpu.transpose %min3A_23, [1, 0] : vector<16x128xf32> -> vector<128x16xf32>
    %min3A_24 = vector.broadcast %reduce_max3A_5 : f32 to vector<16x128xf32>
    %min3A_25 = arith.minimumf %get3A_22, %min3A_24 : vector<16x128xf32>
    %transpose3A_26 = tpu.transpose %min3A_25, [1, 0] : vector<16x128xf32> -> vector<128x16xf32>
    %get3A_27 = arith.constant 0 : index
    %get3A_28 = arith.constant 0 : index
    %get3A_29 = vector.load %arg4[%get3A_27, %get3A_28] : memref<2048x128xf32, #tpu.memory_space<vmem>>, vector<128x128xf32>
    %slice3A = vector.extract_strided_slice %transpose3A {offsets = [0, 0], sizes = [128, 1], strides = [1, 1]} : vector<128x16xf32> to vector<128x1xf32>
    %mul3A_30 = vector.broadcast %slice3A : vector<128x1xf32> to vector<128x128xf32>
    %mul3A_31 = arith.mulf %get3A_29, %mul3A_30 : vector<128x128xf32>
    %get3A_32 = arith.constant 0 : index
    %get3A_33 = arith.constant 0 : index
    %get3A_34 = vector.load %arg5[%get3A_32, %get3A_33] : memref<2048x128xf32, #tpu.memory_space<vmem>>, vector<128x128xf32>
    %slice3A_35 = vector.extract_strided_slice %transpose3A_26 {offsets = [0, 0], sizes = [128, 1], strides = [1, 1]} : vector<128x16xf32> to vector<128x1xf32>
    %mul3A_36 = vector.broadcast %slice3A_35 : vector<128x1xf32> to vector<128x128xf32>
    %mul3A_37 = arith.mulf %get3A_34, %mul3A_36 : vector<128x128xf32>
    %add3A = arith.addf %mul3A_31, %mul3A_37 : vector<128x128xf32>
    %swap3A = arith.constant 0 : index
    %swap3A_38 = arith.constant 0 : index
    %swap3A_39 = vector.load %arg6[%swap3A, %swap3A_38] : memref<2048x128xf32, #tpu.memory_space<vmem>>, vector<128x128xf32>
    tpu.vector_store %arg6[%swap3A, %swap3A_38], %add3A {strides = array<i32>} : memref<2048x128xf32, #tpu.memory_space<vmem>>, vector<128x128xf32>,
    %get3A_40 = arith.constant 128 : index
    %get3A_41 = arith.constant 0 : index
    %get3A_42 = vector.load %arg4[%get3A_40, %get3A_41] : memref<2048x128xf32, #tpu.memory_space<vmem>>, vector<128x128xf32>
    %slice3A_43 = vector.extract_strided_slice %transpose3A {offsets = [0, 1], sizes = [128, 1], strides = [1, 1]} : vector<128x16xf32> to vector<128x1xf32>
    %mul3A_44 = vector.broadcast %slice3A_43 : vector<128x1xf32> to vector<128x128xf32>
    %mul3A_45 = arith.mulf %get3A_42, %mul3A_44 : vector<128x128xf32>
    %get3A_46 = arith.constant 128 : index
    %get3A_47 = arith.constant 0 : index
    %get3A_48 = vector.load %arg5[%get3A_46, %get3A_47] : memref<2048x128xf32, #tpu.memory_space<vmem>>, vector<128x128xf32>
    %slice3A_49 = vector.extract_strided_slice %transpose3A_26 {offsets = [0, 1], sizes = [128, 1], strides = [1, 1]} : vector<128x16xf32> to vector<128x1xf32>
    %mul3A_50 = vector.broadcast %slice3A_49 : vector<128x1xf32> to vector<128x128xf32>
    %mul3A_51 = arith.mulf %get3A_48, %mul3A_50 : vector<128x128xf32>
    %add3A_52 = arith.addf %mul3A_45, %mul3A_51 : vector<128x128xf32>
    %swap3A_53 = arith.constant 128 : index
    %swap3A_54 = arith.constant 0 : index
    %swap3A_55 = vector.load %arg6[%swap3A_53, %swap3A_54] : memref<2048x128xf32, #tpu.memory_space<vmem>>, vector<128x128xf32>
    tpu.vector_store %arg6[%swap3A_53, %swap3A_54], %add3A_52 {strides = array<i32>} : memref<2048x128xf32, #tpu.memory_space<vmem>>, vector<128x128xf32>,
    %get3A_56 = arith.constant 256 : index
    %get3A_57 = arith.constant 0 : index
    %get3A_58 = vector.load %arg4[%get3A_56, %get3A_57] : memref<2048x128xf32, #tpu.memory_space<vmem>>, vector<128x128xf32>
    %slice3A_59 = vector.extract_strided_slice %transpose3A {offsets = [0, 2], sizes = [128, 1], strides = [1, 1]} : vector<128x16xf32> to vector<128x1xf32>
    %mul3A_60 = vector.broadcast %slice3A_59 : vector<128x1xf32> to vector<128x128xf32>
    %mul3A_61 = arith.mulf %get3A_58, %mul3A_60 : vector<128x128xf32>
    %get3A_62 = arith.constant 256 : index
    %get3A_63 = arith.constant 0 : index
    %get3A_64 = vector.load %arg5[%get3A_62, %get3A_63] : memref<2048x128xf32, #tpu.memory_space<vmem>>, vector<128x128xf32>
    %slice3A_65 = vector.extract_strided_slice %transpose3A_26 {offsets = [0, 2], sizes = [128, 1], strides = [1, 1]} : vector<128x16xf32> to vector<128x1xf32>
    %mul3A_66 = vector.broadcast %slice3A_65 : vector<128x1xf32> to vector<128x128xf32>
    %mul3A_67 = arith.mulf %get3A_64, %mul3A_66 : vector<128x128xf32>
    %add3A_68 = arith.addf %mul3A_61, %mul3A_67 : vector<128x128xf32>
    %swap3A_69 = arith.constant 256 : index
    %swap3A_70 = arith.constant 0 : index
    %swap3A_71 = vector.load %arg6[%swap3A_69, %swap3A_70] : memref<2048x128xf32, #tpu.memory_space<vmem>>, vector<128x128xf32>
    tpu.vector_store %arg6[%swap3A_69, %swap3A_70], %add3A_68 {strides = array<i32>} : memref<2048x128xf32, #tpu.memory_space<vmem>>, vector<128x128xf32>,
    %get3A_72 = arith.constant 384 : index
    %get3A_73 = arith.constant 0 : index
    %get3A_74 = vector.load %arg4[%get3A_72, %get3A_73] : memref<2048x128xf32, #tpu.memory_space<vmem>>, vector<128x128xf32>
    %slice3A_75 = vector.extract_strided_slice %transpose3A {offsets = [0, 3], sizes = [128, 1], strides = [1, 1]} : vector<128x16xf32> to vector<128x1xf32>
    %mul3A_76 = vector.broadcast %slice3A_75 : vector<128x1xf32> to vector<128x128xf32>
    %mul3A_77 = arith.mulf %get3A_74, %mul3A_76 : vector<128x128xf32>
    %get3A_78 = arith.constant 384 : index
    %get3A_79 = arith.constant 0 : index
    %get3A_80 = vector.load %arg5[%get3A_78, %get3A_79] : memref<2048x128xf32, #tpu.memory_space<vmem>>, vector<128x128xf32>
    %slice3A_81 = vector.extract_strided_slice %transpose3A_26 {offsets = [0, 3], sizes = [128, 1], strides = [1, 1]} : vector<128x16xf32> to vector<128x1xf32>
    %mul3A_82 = vector.broadcast %slice3A_81 : vector<128x1xf32> to vector<128x128xf32>
    %mul3A_83 = arith.mulf %get3A_80, %mul3A_82 : vector<128x128xf32>
    %add3A_84 = arith.addf %mul3A_77, %mul3A_83 : vector<128x128xf32>
    %swap3A_85 = arith.constant 384 : index
    %swap3A_86 = arith.constant 0 : index
    %swap3A_87 = vector.load %arg6[%swap3A_85, %swap3A_86] : memref<2048x128xf32, #tpu.memory_space<vmem>>, vector<128x128xf32>
    tpu.vector_store %arg6[%swap3A_85, %swap3A_86], %add3A_84 {strides = array<i32>} : memref<2048x128xf32, #tpu.memory_space<vmem>>, vector<128x128xf32>,
    %get3A_88 = arith.constant 512 : index
    %get3A_89 = arith.constant 0 : index
    %get3A_90 = vector.load %arg4[%get3A_88, %get3A_89] : memref<2048x128xf32, #tpu.memory_space<vmem>>, vector<128x128xf32>
    %slice3A_91 = vector.extract_strided_slice %transpose3A {offsets = [0, 4], sizes = [128, 1], strides = [1, 1]} : vector<128x16xf32> to vector<128x1xf32>
    %mul3A_92 = vector.broadcast %slice3A_91 : vector<128x1xf32> to vector<128x128xf32>
    %mul3A_93 = arith.mulf %get3A_90, %mul3A_92 : vector<128x128xf32>
    %get3A_94 = arith.constant 512 : index
    %get3A_95 = arith.constant 0 : index
    %get3A_96 = vector.load %arg5[%get3A_94, %get3A_95] : memref<2048x128xf32, #tpu.memory_space<vmem>>, vector<128x128xf32>
    %slice3A_97 = vector.extract_strided_slice %transpose3A_26 {offsets = [0, 4], sizes = [128, 1], strides = [1, 1]} : vector<128x16xf32> to vector<128x1xf32>
    %mul3A_98 = vector.broadcast %slice3A_97 : vector<128x1xf32> to vector<128x128xf32>
    %mul3A_99 = arith.mulf %get3A_96, %mul3A_98 : vector<128x128xf32>
    %add3A_100 = arith.addf %mul3A_93, %mul3A_99 : vector<128x128xf32>
    %swap3A_101 = arith.constant 512 : index
    %swap3A_102 = arith.constant 0 : index
    %swap3A_103 = vector.load %arg6[%swap3A_101, %swap3A_102] : memref<2048x128xf32, #tpu.memory_space<vmem>>, vector<128x128xf32>
    tpu.vector_store %arg6[%swap3A_101, %swap3A_102], %add3A_100 {strides = array<i32>} : memref<2048x128xf32, #tpu.memory_space<vmem>>, vector<128x128xf32>,
    %get3A_104 = arith.constant 640 : index
    %get3A_105 = arith.constant 0 : index
    %get3A_106 = vector.load %arg4[%get3A_104, %get3A_105] : memref<2048x128xf32, #tpu.memory_space<vmem>>, vector<128x128xf32>
    %slice3A_107 = vector.extract_strided_slice %transpose3A {offsets = [0, 5], sizes = [128, 1], strides = [1, 1]} : vector<128x16xf32> to vector<128x1xf32>
    %mul3A_108 = vector.broadcast %slice3A_107 : vector<128x1xf32> to vector<128x128xf32>
    %mul3A_109 = arith.mulf %get3A_106, %mul3A_108 : vector<128x128xf32>
    %get3A_110 = arith.constant 640 : index
    %get3A_111 = arith.constant 0 : index
    %get3A_112 = vector.load %arg5[%get3A_110, %get3A_111] : memref<2048x128xf32, #tpu.memory_space<vmem>>, vector<128x128xf32>
    %slice3A_113 = vector.extract_strided_slice %transpose3A_26 {offsets = [0, 5], sizes = [128, 1], strides = [1, 1]} : vector<128x16xf32> to vector<128x1xf32>
    %mul3A_114 = vector.broadcast %slice3A_113 : vector<128x1xf32> to vector<128x128xf32>
    %mul3A_115 = arith.mulf %get3A_112, %mul3A_114 : vector<128x128xf32>
    %add3A_116 = arith.addf %mul3A_109, %mul3A_115 : vector<128x128xf32>
    %swap3A_117 = arith.constant 640 : index
    %swap3A_118 = arith.constant 0 : index
    %swap3A_119 = vector.load %arg6[%swap3A_117, %swap3A_118] : memref<2048x128xf32, #tpu.memory_space<vmem>>, vector<128x128xf32>
    tpu.vector_store %arg6[%swap3A_117, %swap3A_118], %add3A_116 {strides = array<i32>} : memref<2048x128xf32, #tpu.memory_space<vmem>>, vector<128x128xf32>,
    %get3A_120 = arith.constant 768 : index
    %get3A_121 = arith.constant 0 : index
    %get3A_122 = vector.load %arg4[%get3A_120, %get3A_121] : memref<2048x128xf32, #tpu.memory_space<vmem>>, vector<128x128xf32>
    %slice3A_123 = vector.extract_strided_slice %transpose3A {offsets = [0, 6], sizes = [128, 1], strides = [1, 1]} : vector<128x16xf32> to vector<128x1xf32>
    %mul3A_124 = vector.broadcast %slice3A_123 : vector<128x1xf32> to vector<128x128xf32>
    %mul3A_125 = arith.mulf %get3A_122, %mul3A_124 : vector<128x128xf32>
    %get3A_126 = arith.constant 768 : index
    %get3A_127 = arith.constant 0 : index
    %get3A_128 = vector.load %arg5[%get3A_126, %get3A_127] : memref<2048x128xf32, #tpu.memory_space<vmem>>, vector<128x128xf32>
    %slice3A_129 = vector.extract_strided_slice %transpose3A_26 {offsets = [0, 6], sizes = [128, 1], strides = [1, 1]} : vector<128x16xf32> to vector<128x1xf32>
    %mul3A_130 = vector.broadcast %slice3A_129 : vector<128x1xf32> to vector<128x128xf32>
    %mul3A_131 = arith.mulf %get3A_128, %mul3A_130 : vector<128x128xf32>
    %add3A_132 = arith.addf %mul3A_125, %mul3A_131 : vector<128x128xf32>
    %swap3A_133 = arith.constant 768 : index
    %swap3A_134 = arith.constant 0 : index
    %swap3A_135 = vector.load %arg6[%swap3A_133, %swap3A_134] : memref<2048x128xf32, #tpu.memory_space<vmem>>, vector<128x128xf32>
    tpu.vector_store %arg6[%swap3A_133, %swap3A_134], %add3A_132 {strides = array<i32>} : memref<2048x128xf32, #tpu.memory_space<vmem>>, vector<128x128xf32>,
    %get3A_136 = arith.constant 896 : index
    %get3A_137 = arith.constant 0 : index
    %get3A_138 = vector.load %arg4[%get3A_136, %get3A_137] : memref<2048x128xf32, #tpu.memory_space<vmem>>, vector<128x128xf32>
    %slice3A_139 = vector.extract_strided_slice %transpose3A {offsets = [0, 7], sizes = [128, 1], strides = [1, 1]} : vector<128x16xf32> to vector<128x1xf32>
    %mul3A_140 = vector.broadcast %slice3A_139 : vector<128x1xf32> to vector<128x128xf32>
    %mul3A_141 = arith.mulf %get3A_138, %mul3A_140 : vector<128x128xf32>
    %get3A_142 = arith.constant 896 : index
    %get3A_143 = arith.constant 0 : index
    %get3A_144 = vector.load %arg5[%get3A_142, %get3A_143] : memref<2048x128xf32, #tpu.memory_space<vmem>>, vector<128x128xf32>
    %slice3A_145 = vector.extract_strided_slice %transpose3A_26 {offsets = [0, 7], sizes = [128, 1], strides = [1, 1]} : vector<128x16xf32> to vector<128x1xf32>
    %mul3A_146 = vector.broadcast %slice3A_145 : vector<128x1xf32> to vector<128x128xf32>
    %mul3A_147 = arith.mulf %get3A_144, %mul3A_146 : vector<128x128xf32>
    %add3A_148 = arith.addf %mul3A_141, %mul3A_147 : vector<128x128xf32>
    %swap3A_149 = arith.constant 896 : index
    %swap3A_150 = arith.constant 0 : index
    %swap3A_151 = vector.load %arg6[%swap3A_149, %swap3A_150] : memref<2048x128xf32, #tpu.memory_space<vmem>>, vector<128x128xf32>
    tpu.vector_store %arg6[%swap3A_149, %swap3A_150], %add3A_148 {strides = array<i32>} : memref<2048x128xf32, #tpu.memory_space<vmem>>, vector<128x128xf32>,
    %get3A_152 = arith.constant 1024 : index
    %get3A_153 = arith.constant 0 : index
    %get3A_154 = vector.load %arg4[%get3A_152, %get3A_153] : memref<2048x128xf32, #tpu.memory_space<vmem>>, vector<128x128xf32>
    %slice3A_155 = vector.extract_strided_slice %transpose3A {offsets = [0, 8], sizes = [128, 1], strides = [1, 1]} : vector<128x16xf32> to vector<128x1xf32>
    %mul3A_156 = vector.broadcast %slice3A_155 : vector<128x1xf32> to vector<128x128xf32>
    %mul3A_157 = arith.mulf %get3A_154, %mul3A_156 : vector<128x128xf32>
    %get3A_158 = arith.constant 1024 : index
    %get3A_159 = arith.constant 0 : index
    %get3A_160 = vector.load %arg5[%get3A_158, %get3A_159] : memref<2048x128xf32, #tpu.memory_space<vmem>>, vector<128x128xf32>
    %slice3A_161 = vector.extract_strided_slice %transpose3A_26 {offsets = [0, 8], sizes = [128, 1], strides = [1, 1]} : vector<128x16xf32> to vector<128x1xf32>
    %mul3A_162 = vector.broadcast %slice3A_161 : vector<128x1xf32> to vector<128x128xf32>
    %mul3A_163 = arith.mulf %get3A_160, %mul3A_162 : vector<128x128xf32>
    %add3A_164 = arith.addf %mul3A_157, %mul3A_163 : vector<128x128xf32>
    %swap3A_165 = arith.constant 1024 : index
    %swap3A_166 = arith.constant 0 : index
    %swap3A_167 = vector.load %arg6[%swap3A_165, %swap3A_166] : memref<2048x128xf32, #tpu.memory_space<vmem>>, vector<128x128xf32>
    tpu.vector_store %arg6[%swap3A_165, %swap3A_166], %add3A_164 {strides = array<i32>} : memref<2048x128xf32, #tpu.memory_space<vmem>>, vector<128x128xf32>,
    %get3A_168 = arith.constant 1152 : index
    %get3A_169 = arith.constant 0 : index
    %get3A_170 = vector.load %arg4[%get3A_168, %get3A_169] : memref<2048x128xf32, #tpu.memory_space<vmem>>, vector<128x128xf32>
    %slice3A_171 = vector.extract_strided_slice %transpose3A {offsets = [0, 9], sizes = [128, 1], strides = [1, 1]} : vector<128x16xf32> to vector<128x1xf32>
    %mul3A_172 = vector.broadcast %slice3A_171 : vector<128x1xf32> to vector<128x128xf32>
    %mul3A_173 = arith.mulf %get3A_170, %mul3A_172 : vector<128x128xf32>
    %get3A_174 = arith.constant 1152 : index
    %get3A_175 = arith.constant 0 : index
    %get3A_176 = vector.load %arg5[%get3A_174, %get3A_175] : memref<2048x128xf32, #tpu.memory_space<vmem>>, vector<128x128xf32>
    %slice3A_177 = vector.extract_strided_slice %transpose3A_26 {offsets = [0, 9], sizes = [128, 1], strides = [1, 1]} : vector<128x16xf32> to vector<128x1xf32>
    %mul3A_178 = vector.broadcast %slice3A_177 : vector<128x1xf32> to vector<128x128xf32>
    %mul3A_179 = arith.mulf %get3A_176, %mul3A_178 : vector<128x128xf32>
    %add3A_180 = arith.addf %mul3A_173, %mul3A_179 : vector<128x128xf32>
    %swap3A_181 = arith.constant 1152 : index
    %swap3A_182 = arith.constant 0 : index
    %swap3A_183 = vector.load %arg6[%swap3A_181, %swap3A_182] : memref<2048x128xf32, #tpu.memory_space<vmem>>, vector<128x128xf32>
    tpu.vector_store %arg6[%swap3A_181, %swap3A_182], %add3A_180 {strides = array<i32>} : memref<2048x128xf32, #tpu.memory_space<vmem>>, vector<128x128xf32>,
    %get3A_184 = arith.constant 1280 : index
    %get3A_185 = arith.constant 0 : index
    %get3A_186 = vector.load %arg4[%get3A_184, %get3A_185] : memref<2048x128xf32, #tpu.memory_space<vmem>>, vector<128x128xf32>
    %slice3A_187 = vector.extract_strided_slice %transpose3A {offsets = [0, 10], sizes = [128, 1], strides = [1, 1]} : vector<128x16xf32> to vector<128x1xf32>
    %mul3A_188 = vector.broadcast %slice3A_187 : vector<128x1xf32> to vector<128x128xf32>
    %mul3A_189 = arith.mulf %get3A_186, %mul3A_188 : vector<128x128xf32>
    %get3A_190 = arith.constant 1280 : index
    %get3A_191 = arith.constant 0 : index
    %get3A_192 = vector.load %arg5[%get3A_190, %get3A_191] : memref<2048x128xf32, #tpu.memory_space<vmem>>, vector<128x128xf32>
    %slice3A_193 = vector.extract_strided_slice %transpose3A_26 {offsets = [0, 10], sizes = [128, 1], strides = [1, 1]} : vector<128x16xf32> to vector<128x1xf32>
    %mul3A_194 = vector.broadcast %slice3A_193 : vector<128x1xf32> to vector<128x128xf32>
    %mul3A_195 = arith.mulf %get3A_192, %mul3A_194 : vector<128x128xf32>
    %add3A_196 = arith.addf %mul3A_189, %mul3A_195 : vector<128x128xf32>
    %swap3A_197 = arith.constant 1280 : index
    %swap3A_198 = arith.constant 0 : index
    %swap3A_199 = vector.load %arg6[%swap3A_197, %swap3A_198] : memref<2048x128xf32, #tpu.memory_space<vmem>>, vector<128x128xf32>
    tpu.vector_store %arg6[%swap3A_197, %swap3A_198], %add3A_196 {strides = array<i32>} : memref<2048x128xf32, #tpu.memory_space<vmem>>, vector<128x128xf32>,
    %get3A_200 = arith.constant 1408 : index
    %get3A_201 = arith.constant 0 : index
    %get3A_202 = vector.load %arg4[%get3A_200, %get3A_201] : memref<2048x128xf32, #tpu.memory_space<vmem>>, vector<128x128xf32>
    %slice3A_203 = vector.extract_strided_slice %transpose3A {offsets = [0, 11], sizes = [128, 1], strides = [1, 1]} : vector<128x16xf32> to vector<128x1xf32>
    %mul3A_204 = vector.broadcast %slice3A_203 : vector<128x1xf32> to vector<128x128xf32>
    %mul3A_205 = arith.mulf %get3A_202, %mul3A_204 : vector<128x128xf32>
    %get3A_206 = arith.constant 1408 : index
    %get3A_207 = arith.constant 0 : index
    %get3A_208 = vector.load %arg5[%get3A_206, %get3A_207] : memref<2048x128xf32, #tpu.memory_space<vmem>>, vector<128x128xf32>
    %slice3A_209 = vector.extract_strided_slice %transpose3A_26 {offsets = [0, 11], sizes = [128, 1], strides = [1, 1]} : vector<128x16xf32> to vector<128x1xf32>
    %mul3A_210 = vector.broadcast %slice3A_209 : vector<128x1xf32> to vector<128x128xf32>
    %mul3A_211 = arith.mulf %get3A_208, %mul3A_210 : vector<128x128xf32>
    %add3A_212 = arith.addf %mul3A_205, %mul3A_211 : vector<128x128xf32>
    %swap3A_213 = arith.constant 1408 : index
    %swap3A_214 = arith.constant 0 : index
    %swap3A_215 = vector.load %arg6[%swap3A_213, %swap3A_214] : memref<2048x128xf32, #tpu.memory_space<vmem>>, vector<128x128xf32>
    tpu.vector_store %arg6[%swap3A_213, %swap3A_214], %add3A_212 {strides = array<i32>} : memref<2048x128xf32, #tpu.memory_space<vmem>>, vector<128x128xf32>,
    %get3A_216 = arith.constant 1536 : index
    %get3A_217 = arith.constant 0 : index
    %get3A_218 = vector.load %arg4[%get3A_216, %get3A_217] : memref<2048x128xf32, #tpu.memory_space<vmem>>, vector<128x128xf32>
    %slice3A_219 = vector.extract_strided_slice %transpose3A {offsets = [0, 12], sizes = [128, 1], strides = [1, 1]} : vector<128x16xf32> to vector<128x1xf32>
    %mul3A_220 = vector.broadcast %slice3A_219 : vector<128x1xf32> to vector<128x128xf32>
    %mul3A_221 = arith.mulf %get3A_218, %mul3A_220 : vector<128x128xf32>
    %get3A_222 = arith.constant 1536 : index
    %get3A_223 = arith.constant 0 : index
    %get3A_224 = vector.load %arg5[%get3A_222, %get3A_223] : memref<2048x128xf32, #tpu.memory_space<vmem>>, vector<128x128xf32>
    %slice3A_225 = vector.extract_strided_slice %transpose3A_26 {offsets = [0, 12], sizes = [128, 1], strides = [1, 1]} : vector<128x16xf32> to vector<128x1xf32>
    %mul3A_226 = vector.broadcast %slice3A_225 : vector<128x1xf32> to vector<128x128xf32>
    %mul3A_227 = arith.mulf %get3A_224, %mul3A_226 : vector<128x128xf32>
    %add3A_228 = arith.addf %mul3A_221, %mul3A_227 : vector<128x128xf32>
    %swap3A_229 = arith.constant 1536 : index
    %swap3A_230 = arith.constant 0 : index
    %swap3A_231 = vector.load %arg6[%swap3A_229, %swap3A_230] : memref<2048x128xf32, #tpu.memory_space<vmem>>, vector<128x128xf32>
    tpu.vector_store %arg6[%swap3A_229, %swap3A_230], %add3A_228 {strides = array<i32>} : memref<2048x128xf32, #tpu.memory_space<vmem>>, vector<128x128xf32>,
    %get3A_232 = arith.constant 1664 : index
    %get3A_233 = arith.constant 0 : index
    %get3A_234 = vector.load %arg4[%get3A_232, %get3A_233] : memref<2048x128xf32, #tpu.memory_space<vmem>>, vector<128x128xf32>
    %slice3A_235 = vector.extract_strided_slice %transpose3A {offsets = [0, 13], sizes = [128, 1], strides = [1, 1]} : vector<128x16xf32> to vector<128x1xf32>
    %mul3A_236 = vector.broadcast %slice3A_235 : vector<128x1xf32> to vector<128x128xf32>
    %mul3A_237 = arith.mulf %get3A_234, %mul3A_236 : vector<128x128xf32>
    %get3A_238 = arith.constant 1664 : index
    %get3A_239 = arith.constant 0 : index
    %get3A_240 = vector.load %arg5[%get3A_238, %get3A_239] : memref<2048x128xf32, #tpu.memory_space<vmem>>, vector<128x128xf32>
    %slice3A_241 = vector.extract_strided_slice %transpose3A_26 {offsets = [0, 13], sizes = [128, 1], strides = [1, 1]} : vector<128x16xf32> to vector<128x1xf32>
    %mul3A_242 = vector.broadcast %slice3A_241 : vector<128x1xf32> to vector<128x128xf32>
    %mul3A_243 = arith.mulf %get3A_240, %mul3A_242 : vector<128x128xf32>
    %add3A_244 = arith.addf %mul3A_237, %mul3A_243 : vector<128x128xf32>
    %swap3A_245 = arith.constant 1664 : index
    %swap3A_246 = arith.constant 0 : index
    %swap3A_247 = vector.load %arg6[%swap3A_245, %swap3A_246] : memref<2048x128xf32, #tpu.memory_space<vmem>>, vector<128x128xf32>
    tpu.vector_store %arg6[%swap3A_245, %swap3A_246], %add3A_244 {strides = array<i32>} : memref<2048x128xf32, #tpu.memory_space<vmem>>, vector<128x128xf32>,
    %get3A_248 = arith.constant 1792 : index
    %get3A_249 = arith.constant 0 : index
    %get3A_250 = vector.load %arg4[%get3A_248, %get3A_249] : memref<2048x128xf32, #tpu.memory_space<vmem>>, vector<128x128xf32>
    %slice3A_251 = vector.extract_strided_slice %transpose3A {offsets = [0, 14], sizes = [128, 1], strides = [1, 1]} : vector<128x16xf32> to vector<128x1xf32>
    %mul3A_252 = vector.broadcast %slice3A_251 : vector<128x1xf32> to vector<128x128xf32>
    %mul3A_253 = arith.mulf %get3A_250, %mul3A_252 : vector<128x128xf32>
    %get3A_254 = arith.constant 1792 : index
    %get3A_255 = arith.constant 0 : index
    %get3A_256 = vector.load %arg5[%get3A_254, %get3A_255] : memref<2048x128xf32, #tpu.memory_space<vmem>>, vector<128x128xf32>
    %slice3A_257 = vector.extract_strided_slice %transpose3A_26 {offsets = [0, 14], sizes = [128, 1], strides = [1, 1]} : vector<128x16xf32> to vector<128x1xf32>
    %mul3A_258 = vector.broadcast %slice3A_257 : vector<128x1xf32> to vector<128x128xf32>
    %mul3A_259 = arith.mulf %get3A_256, %mul3A_258 : vector<128x128xf32>
    %add3A_260 = arith.addf %mul3A_253, %mul3A_259 : vector<128x128xf32>
    %swap3A_261 = arith.constant 1792 : index
    %swap3A_262 = arith.constant 0 : index
    %swap3A_263 = vector.load %arg6[%swap3A_261, %swap3A_262] : memref<2048x128xf32, #tpu.memory_space<vmem>>, vector<128x128xf32>
    tpu.vector_store %arg6[%swap3A_261, %swap3A_262], %add3A_260 {strides = array<i32>} : memref<2048x128xf32, #tpu.memory_space<vmem>>, vector<128x128xf32>,
    %get3A_264 = arith.constant 1920 : index
    %get3A_265 = arith.constant 0 : index
    %get3A_266 = vector.load %arg4[%get3A_264, %get3A_265] : memref<2048x128xf32, #tpu.memory_space<vmem>>, vector<128x128xf32>
    %slice3A_267 = vector.extract_strided_slice %transpose3A {offsets = [0, 15], sizes = [128, 1], strides = [1, 1]} : vector<128x16xf32> to vector<128x1xf32>
    %mul3A_268 = vector.broadcast %slice3A_267 : vector<128x1xf32> to vector<128x128xf32>
    %mul3A_269 = arith.mulf %get3A_266, %mul3A_268 : vector<128x128xf32>
    %get3A_270 = arith.constant 1920 : index
    %get3A_271 = arith.constant 0 : index
    %get3A_272 = vector.load %arg5[%get3A_270, %get3A_271] : memref<2048x128xf32, #tpu.memory_space<vmem>>, vector<128x128xf32>
    %slice3A_273 = vector.extract_strided_slice %transpose3A_26 {offsets = [0, 15], sizes = [128, 1], strides = [1, 1]} : vector<128x16xf32> to vector<128x1xf32>
    %mul3A_274 = vector.broadcast %slice3A_273 : vector<128x1xf32> to vector<128x128xf32>
    %mul3A_275 = arith.mulf %get3A_272, %mul3A_274 : vector<128x128xf32>
    %add3A_276 = arith.addf %mul3A_269, %mul3A_275 : vector<128x128xf32>
    %swap3A_277 = arith.constant 1920 : index
    %swap3A_278 = arith.constant 0 : index
    %swap3A_279 = vector.load %arg6[%swap3A_277, %swap3A_278] : memref<2048x128xf32, #tpu.memory_space<vmem>>, vector<128x128xf32>
    tpu.vector_store %arg6[%swap3A_277, %swap3A_278], %add3A_276 {strides = array<i32>} : memref<2048x128xf32, #tpu.memory_space<vmem>>, vector<128x128xf32>,
    return
  }
  func.func @transform_0(%arg0: i32) -> (i32, i32) {
    %c0_i32 = arith.constant 0 : i32
    %c0_i32_0 = arith.constant 0 : i32
    %c0_i32_1 = arith.constant 0 : i32
    return %c0_i32, %c0_i32_0 : i32, i32
  }
  func.func @transform_1(%arg0: i32) -> (i32, i32) {
    %c0_i32 = arith.constant 0 : i32
    %c0_i32_0 = arith.constant 0 : i32
    %c0_i32_1 = arith.constant 0 : i32
    return %c0_i32, %c0_i32_0 : i32, i32
  }
  func.func @transform_2(%arg0: i32) -> (i32, i32) {
    %c0_i32 = arith.constant 0 : i32
    %c0_i32_0 = arith.constant 0 : i32
    %c0_i32_1 = arith.constant 0 : i32
    return %c0_i32, %c0_i32_0 : i32, i32
  }
  func.func @transform_3(%arg0: i32) -> (i32, i32) {
    %c0_i32 = arith.constant 0 : i32
    %c0_i32_0 = arith.constant 0 : i32
    return %arg0, %c0_i32 : i32, i32
  }
  func.func @transform_4(%arg0: i32) -> (i32, i32) {
    %c0_i32 = arith.constant 0 : i32
    %c0_i32_0 = arith.constant 0 : i32
    return %arg0, %c0_i32 : i32, i32
  }
  func.func @transform_5(%arg0: i32) -> (i32, i32) {
    %c0_i32 = arith.constant 0 : i32
    %c0_i32_0 = arith.constant 0 : i32
    return %arg0, %c0_i32 : i32, i32
  }
}

module attributes {stable_mosaic.version = 14 : i64} {
  func.func @_asm_body(%arg0: i32, %arg1: memref<2048x128xf32, #tpu.memory_space<vmem>>, %arg2: memref<16384x128xf32, #tpu.memory_space<any>>, %arg3: memref<2048x128xf32, #tpu.memory_space<vmem>>) attributes {dimension_semantics = [#tpu.dimension_semantics<arbitrary>], iteration_bounds = array<i64: 3>, scalar_prefetch = 0 : i64, scratch_operands = 0 : i64, tpu.core_type = #tpu.core_type<tc>, window_params = [{transform_indices = @transform_0, window_bounds = array<i64: 2048, 128>}, {}, {transform_indices = @transform_2, window_bounds = array<i64: 2048, 128>}]} {
    %get3A = arith.constant 0 : index
    %get3A_0 = arith.constant 0 : index
    %get3A_1 = vector.load %arg1[%get3A, %get3A_0] : memref<2048x128xf32, #tpu.memory_space<vmem>>, vector<2048x128xf32>
    %swap3A = arith.constant 0 : index
    %swap3A_2 = arith.constant 0 : index
    %swap3A_3 = vector.load %arg3[%swap3A, %swap3A_2] : memref<2048x128xf32, #tpu.memory_space<vmem>>, vector<2048x128xf32>
    tpu.vector_store %arg3[%swap3A, %swap3A_2], %get3A_1 {strides = array<i32>} : memref<2048x128xf32, #tpu.memory_space<vmem>>, vector<2048x128xf32>,
    return
  }
  func.func @transform_0(%arg0: i32) -> (i32, i32) {
    %c0_i32 = arith.constant 0 : i32
    %c0_i32_0 = arith.constant 0 : i32
    return %arg0, %c0_i32 : i32, i32
  }
  func.func @transform_2(%arg0: i32) -> (i32, i32) {
    %add3A = arith.constant 5 : i32
    %add3A_0 = arith.addi %add3A, %arg0 : i32
    %c0_i32 = arith.constant 0 : i32
    %c0_i32_1 = arith.constant 0 : i32
    return %add3A_0, %c0_i32 : i32, i32
  }
}

</mosaic_0001>

<sc_bundles>
// kernel: kernel.5.cloned.1.call-start
scs
__scs_entry_jumppad:
0x0: {  	(pc) =	sbr.rel $0x88, $3  }
0x1: {  	(tag) =	ssettag $0x0;
	lr =	simm.s32 $0x1  }
0x2: {  	[smem:$0x3F9C] =	sst lr;
	_ =	strace $0xD0000000  }
0x3: {  	_ = 	snop  }
0x4: {  	_ = 	snop  }
0x5: {  	_ = 	snop  }
0x6: {  	_ = 	snop  }
0x7: {  	_ = 	snop  }
__scs_overlays_trampoline_lowered:
0x8: {  	[smem:$0x3FAB] =	sst s0  }
0x9: {  	[smem:$0x3FAC] =	sst s1  }
0xa: {  	[smem:$0x3FAD] =	sst s2  }
0xb: {  	[smem:$0x3FAE] =	sst s3  }
0xc: {  	[smem:$0x3FAF] =	sst s4  }
0xd: {  	[smem:$0x3FB0] =	sst s5  }
0xe: {  	[smem:$0x3FB1] =	sst s6  }
0xf: {  	[smem:$0x3FB2] =	sst s7  }
0x10: {  	[smem:$0x3FB3] =	sst s8  }
0x11: {  	[smem:$0x3FB4] =	sst s9;
	s0 =	simm.s32 @!p0 $0x0  }
0x12: {  	s1 =	sld [smem:$0x3F9A];
	s0 =	simm.s32 @p0 $0x1  }
0x13: {  	[smem:$0x3FB5] =	sst s0;
	s0 =	simm.s32 @!p1 $0x0  }
0x14: {  	s2 =	sld [smem:$0x3F99];
	s0 =	simm.s32 @p1 $0x1  }
0x15: {  	[smem:$0x3FB6] =	sst s0;
	s0 =	simm.s32 @!p2 $0x0  }
0x16: {  	s3 =	sld [smem:$0x3FDB];
	s0 =	simm.s32 @p2 $0x1  }
0x17: {  	s4 =	simm.s32 $0x1BF5;
	[smem:$0x3FB8] =	sst s0  }
0x18: {  	s0 =	sld [smem:$0x3F9B];
	_ =	swait.ge [sflag:s4], $0x0  }
0x19: {  	s7 =	sld [smem:$0x3F9C]  }
0x1a: {  	s8 =	sadd.s32 $0xFFFFE003, lr  }
0x1b: {  	s9 =	sadd.s32 $0xFFFFFEF7, lr;
	s5 =	simm.s32 $0xFFFFFFFF;
	p2 =	slt.u32 s8, $0xFFFFF086  }
0x1c: {  	p1 =	slt.u32 s9, $0xF7A;
	s5 =	simm.s32 @!p2 $0x0  }
0x1d: {  	s5 =	simm.s32 @p1 $0x1;
	p0 =	seq.s32 s7, s2  }
0x1e: {  	s7 =	smul.u32 @!p0 $0xF7A, s2;
	p2 =	seq.s32 @!p0 s5, $0x0  }
0x1f: {  	s9 =	smul.u32 $0xF7A, s1;
	s8 =	simm.s32 @!p0 $0x1BF5;
	p2 =	por !p2, p0  }
0x20: {  	[sflag:s8] =	ssyncset.s32 @!p0 $0xFFFFF086;
	s6 =	sadd.s32 @!p0 s3, s7;
	s7 =	simm.s32 @!p0 $0x108  }
0x21: {  	s3 =	sadd.s32 s3, s9;
	s6 =	sadd.s32 @!p0 $0x88, s6;
	s7 =	simm.s32 @p2 $0x1082  }
0x22: {  	[simem:s7], [sflag:s8] =	dma.local @!p0 [hbm:s6], $0xF7A  }
0x23: {  	s9 =	sor.u32 $0xD0000000, s2;
	s6 =	simm.s32 $0x108;
	_ =	swait.ge @!p0 [sflag:s8], $0x0  }
0x24: {  	s3 =	sadd.s32 $0x88, s3;
	s6 =	simm.s32 @!p1 $0x1082;
	[sflag:s4] =	ssyncset.s32 $0xFFFFF086  }
0x25: {  	[simem:s6], [sflag:s4] =	dma.local [hbm:s3], $0xF7A  }
0x26: {  	[smem:$0x3F9C] =	sst s1;
	(tag) =	ssettag s2;
	_ =	strace s9  }
0x27: {  	s1 =	sld [smem:$0x3FAC]  }
0x28: {  	s2 =	sld [smem:$0x3FAD]  }
0x29: {  	s4 =	sld [smem:$0x3FAF]  }
0x2a: {  	p0 =	seq.s32 s5, $0x0;
	s5 =	sld [smem:$0x3FB0]  }
0x2b: {  	s6 =	sld [smem:$0x3FB1]  }
0x2c: {  	s7 =	sld [smem:$0x3FB2]  }
0x2d: {  	s3 =	simm.s32 $0x108;
	s8 =	sld [smem:$0x3FB3]  }
0x2e: {  	s3 =	simm.s32 @!p0 $0x1082;
	s9 =	sld [smem:$0x3FB4]  }
0x2f: {  	lr =	sadd.s32 s0, s3;
	s0 =	sld [smem:$0x3FAB]  }
0x30: {  	s3 =	sld [smem:$0x3FAE]  }
0x31: {  	[smem:$0x3FB7] =	sst s10  }
0x32: {  	s10 =	sld [smem:$0x3FB5];
	_ =	sdelay $0x3  }
0x33: {  	p0 =	seq.s32 s10, $0x1;
	s10 =	sld [smem:$0x3FB7];
	_ =	sdelay $0x3  }
0x34: {  	[smem:$0x3FB7] =	sst s10  }
0x35: {  	s10 =	sld [smem:$0x3FB6];
	_ =	sdelay $0x3  }
0x36: {  	p1 =	seq.s32 s10, $0x1;
	s10 =	sld [smem:$0x3FB7];
	_ =	sdelay $0x3  }
0x37: {  	[smem:$0x3FB7] =	sst s10  }
0x38: {  	s10 =	sld [smem:$0x3FB8]  }
0x39: {  	_ = 	snop;
	(pc) =	sbr.ind lr, $3  }
0x3a: {  	_ = 	snop  }
0x3b: {  	_ = 	snop  }
0x3c: {  	p2 =	seq.s32 s10, $0x1;
	s10 =	sld [smem:$0x3FB7]  }
0x3d: {  	_ =	shalt  }
0x3e: {  	_ =	shalt  }
0x3f: {  	_ =	shalt  }
0x40: {  	_ =	shalt  }
0x41: {  	_ =	shalt  }
0x42: {  	_ =	shalt  }
0x43: {  	_ =	shalt  }
0x44: {  	_ =	shalt  }
0x45: {  	_ =	shalt  }
0x46: {  	_ =	shalt  }
0x47: {  	_ =	shalt  }
0x48: {  	_ =	shalt  }
0x49: {  	_ =	shalt  }
0x4a: {  	_ =	shalt  }
0x4b: {  	_ =	shalt  }
0x4c: {  	_ =	shalt  }
0x4d: {  	_ =	shalt  }
0x4e: {  	_ =	shalt  }
0x4f: {  	_ =	shalt  }
0x50: {  	_ =	shalt  }
0x51: {  	_ =	shalt  }
0x52: {  	_ =	shalt  }
0x53: {  	_ =	shalt  }
0x54: {  	_ =	shalt  }
0x55: {  	_ =	shalt  }
0x56: {  	_ =	shalt  }
0x57: {  	_ =	shalt  }
0x58: {  	_ =	shalt  }
0x59: {  	_ =	shalt  }
0x5a: {  	_ =	shalt  }
0x5b: {  	_ =	shalt  }
0x5c: {  	_ =	shalt  }
0x5d: {  	_ =	shalt  }
0x5e: {  	_ =	shalt  }
0x5f: {  	_ =	shalt  }
0x60: {  	_ =	shalt  }
0x61: {  	_ =	shalt  }
0x62: {  	_ =	shalt  }
0x63: {  	_ =	shalt  }
0x64: {  	_ =	shalt  }
0x65: {  	_ =	shalt  }
0x66: {  	_ =	shalt  }
0x67: {  	_ =	shalt  }
0x68: {  	_ =	shalt  }
0x69: {  	_ =	shalt  }
0x6a: {  	_ =	shalt  }
0x6b: {  	_ =	shalt  }
0x6c: {  	_ =	shalt  }
0x6d: {  	_ =	shalt  }
0x6e: {  	_ =	shalt  }
0x6f: {  	_ =	shalt  }
0x70: {  	_ =	shalt  }
0x71: {  	_ =	shalt  }
0x72: {  	_ =	shalt  }
0x73: {  	_ =	shalt  }
0x74: {  	_ =	shalt  }
0x75: {  	_ =	shalt  }
0x76: {  	_ =	shalt  }
0x77: {  	_ =	shalt  }
0x78: {  	_ =	shalt  }
0x79: {  	_ =	shalt  }
0x7a: {  	_ =	shalt  }
0x7b: {  	_ =	shalt  }
0x7c: {  	_ =	shalt  }
0x7d: {  	_ =	shalt  }
0x7e: {  	_ =	shalt  }
0x7f: {  	_ =	shalt  }
0x80: {  	_ =	shalt  }
0x81: {  	_ =	shalt  }
0x82: {  	_ =	shalt  }
0x83: {  	_ =	shalt  }
0x84: {  	_ =	shalt  }
0x85: {  	_ =	shalt  }
0x86: {  	_ =	shalt  }
0x87: {  	_ =	shalt  }
.Lfunc_end0:
.L_simem_size_0:
called_computation_lowered:
.L_overlay_start_0:
0x88: {  	s2 =	sld [smem:$0x3FD9]  }
0x89: {  	s3 =	sld [smem:$0x3FFE];
	_ =	sdelay $0x1  }
0x8a: {  	s1 =	srdreg.scid  }
0x8b: {  	s0 =	sand.u32 $0x1, s1  }
0x8c: {  	s17 =	sshll.u32 s0, $0xA;
	s2 =	sadd.s32 s3, s2  }
0x8d: {  	s2 =	sadd.s32 s2, s17  }
0x8e: {  	[smem:$0x3FC3] =	sst s2  }
0x8f: {  	_ = 	snop  }
0x90: {  	s2 =	sld [smem:$0x3FC9]  }
0x91: {  	s18 =	sld [smem:$0x3FC8]  }
0x92: {  	s4 =	sld [smem:$0x3FC7]  }
0x93: {  	s5 =	sld [smem:$0x3FC6]  }
0x94: {  	s6 =	sld [smem:$0x3FC5];
	(tm) =	ssettm $0x1  }
0x95: {  	s7 =	sld [smem:$0x3FFB];
	_ =	sdelay $0x3  }
0x96: {  	_ =	strace s7  }
0x97: {  	s7 =	sld [smem:$0x3FFC];
	_ =	sdelay $0x3  }
0x98: {  	_ =	strace s7  }
0x99: {  	s7 =	sld [smem:$0x3FFD];
	_ =	sdelay $0x3  }
0x9a: {  	_ =	strace s7  }
0x9b: {  	_ =	strace $0x8FFFFFFF  }
0x9c: {  	s19 =	sld [smem:$0x3FDB];
	_ =	sdelay $0x1  }
0x9d: {  	s8 =	simm.s32 $_scs_section_size  }
0x9e: {  	s9 =	simm.s32 $_size__tile_overlayer_lowered;
	s10 =	simm.s32 $_tile_overlayer_lowered  }
0x9f: {  	s22 =	simm.s32 $0x1BFF;
	s21 =	sshll.u32 s10, $0x1;
	s7 =	sadd.s32 s8, s19  }
0xa0: {  	s11 =	simm.s32 $0x0;
	s20 =	sshll.u32 s9, $0x1;
	s9 =	sadd.s32 s21, s7  }
0xa1: {  	[timem:s11], [sflag:s22] =	dma.local [hbm:s9], s20  }
0xa2: {  	_ =	swait.ge [sflag:s22], s20  }
0xa3: {  	s8 =	ssub.s32 $0x0, s20;
	[sflag:s22] =	ssyncset.done $0x0  }
0xa4: {  	[sflag:s22] =	ssyncadd.s32 s8;
	_ =	sdelay $0x1  }
0xa5: {  	s23 =	simm.s32 $0x1B8B  }
0xa6: {  	_ =	swait.ge [sflag:s23], $0x1  }
0xa7: {  	[sflag:s23] =	ssyncset.done $0x0  }
0xa8: {  	s25 =	simm.s32 $0x1B8E;
	s24 =	sld [smem:$0x3FFE];
	[sflag:s23] =	ssyncadd.s32 $0xFFFFFFFF  }
0xa9: {  	s26 =	simm.s32 $execute0_lowered;
	[smem:$0x3FD2] =	sst s25  }
0xaa: {  	s9 =	sshll.u32 s26, $0x1;
	_ =	strace $0x80000046;
	[dreg:$0x1] =	wrdreg $0xFFFFFFFF  }
0xab: {  	s28 =	simm.s32 $_size_execute0_lowered;
	s7 =	sadd.s32 s7, s9;
	[dreg:$0x0] =	wrdreg $0x0  }
0xac: {  	s9 =	sshll.u32 s28, $0x1;
	[dreg:$0x2] =	wrdreg s7  }
0xad: {  	[dreg:$0x3] =	wrdreg s9  }
0xae: {  	[dreg:$0x4] =	wrdreg $0xC0  }
0xaf: {  	_ =	task [dreg:s11], $0x5FFFF  }
0xb0: {  	[dreg:$0x1] =	wrdreg $0xFFFFFFFF  }
0xb1: {  	[dreg:$0x0] =	wrdreg $0x60  }
0xb2: {  	[dreg:$0x2] =	wrdreg s5  }
0xb3: {  	[dreg:$0x3] =	wrdreg s6  }
0xb4: {  	[dreg:$0x4] =	wrdreg s2  }
0xb5: {  	[dreg:$0x5] =	wrdreg s18  }
0xb6: {  	[dreg:$0x6] =	wrdreg s4  }
0xb7: {  	[dreg:$0x7] =	wrdreg s24  }
0xb8: {  	[dreg:$0x8] =	wrdreg $0x9  }
0xb9: {  	_ =	task.clear_ibuf [dreg:s11], $0x9FFFF;
	_ =	strace $0x90000046  }
0xba: {  	s29 =	simm.s32 $0x9;
	_ =	strace $0x80000048  }
0xbb: {  	_ =	swait.ge [sflag:s29], $0x1  }
0xbc: {  	[sflag:s29] =	ssyncadd.s32 $0xFFFFFFFF  }
0xbd: {  	_ =	strace $0x90000048  }
0xbe: {  	_ =	sfence  }
0xbf: {  	s30 =	sld [smem:$0x0];
	_ =	sdelay $0x2  }
0xc0: {  	s31 =	sshll.u32 s1, $0xD;
	s1 =	sshrl.u32 s1, $0x2  }
0xc1: {  	s3 =	sand.u32 $0x4000, s31;
	s1 =	sadd.s32 s1, s30  }
0xc2: {  	s0 =	sor.u32 s3, s0;
	s1 =	sshll.u32 s1, $0x11  }
0xc3: {  	s0 =	sor.u32 s1, s0  }
0xc4: {  	s0 =	sadd.s32 $0x8F2B, s0  }
0xc5: {  	[sflag:s0] =	ssyncadd.remote.s32 $0x1  }
0xc6: {  	_ =	sfence.sel $0xFFFF  }
0xc7: {  	[dreg:$0x0] =	wrdreg $0xFFFFFFFF;
	(pc) =	sbr.abs _section_cstart, $3  }
0xc8: {  	[dreg:$0x1] =	wrdreg $0xFFFFFFFF  }
0xc9: {  	_ =	task.clear_ibuf [dreg:s11], $0x2FFFF;
	_ =	strace $0x9FFFFFFF  }
0xca: {  	(tm) =	ssettm $0x7FFFFFFF  }
0xcb: {  	_ =	shalt  }
tec
execute0_lowered:
.L_overlay_start_1:
0x0: {  	(tag) =	ssettag $0x1  }
0x1: {  	s0 =	rddreg [dreg:$0x0]  }
0x2: {  	s1 =	rddreg [dreg:$0x1]  }
0x3: {  	s2 =	rddreg [dreg:$0x3]  }
0x4: {  	s3 =	srdreg.scid;
	s9 =	rddreg [dreg:$0x4]  }
0x5: {  	s4 =	stileid.u32;
	s5 =	rddreg [dreg:$0x5];
	s20 =	simm.s32 $0x8200  }
0x6: {  	s21 =	simm.s32 $0xA200;
	s22 =	simm.s32 $0x1;
	s23 =	simm.s32 $0x2  }
0x7: {  	s29 =	simm.s32 $0x5;
	s30 =	simm.s32 $0x6;
	s31 =	simm.s32 $0xC200  }
0x8: {  	s17 =	simm.s32 $0xA;
	s3 =	sand.u32 $0x1, s3;
	s4 =	sshll.u32 s4, $0x1  }
0x9: {  	s18 =	simm.s32 $0x0;
	s6 =	sor.u32 s3, s4;
	s4 =	simm.s32 $0x0  }
0xa: {  	s3 =	ssub.s32 $0x2, s3;
	s7 =	smul.u32 $0x6000, s6;
	[smem:$0x7FF] =	sst s4  }
0xb: {  	s6 =	smul.u32 $0xC0, s6;
	s24 =	sshrl.u32 s3, $0x1;
	_ =	strace $0x80000047  }
0xc: {  	s3 =	ssub.s32 s3, s24;
	s24 =	simm.s32 $0x3;
	s10 =	sshrl.u32 s7, $0x3  }
0xd: {  	s6 =	sadd.s32 $0x2800, s6;
	s16 =	smax.u32 s3, $0x1;
	s3 =	simm.s32 $0x7  }
0xe: {  	s5 =	sadd.s32 s10, s5;
	s8 =	sshrl.u32 s6, $0x3;
	s25 =	sshll.u32 s6, $0x4  }
0xf: {  	s11 =	sadd.s32 $0x28400, s10;
	s28 =	sadd.s32 $0x28800, s10;
	s2 =	sadd.s32 s2, s8  }
0x10: {  	s26 =	sadd.s32 s9, s8;
	s7 =	sadd.s32 s0, s25;
	s8 =	sadd.s32 s1, s25  }
0x11: {  	s9 =	sadd.s32 s0, s11;
	s10 =	sadd.s32 s1, s11;
	s11 =	sadd.s32 $0x1000, s5  }
0x12: {  	s12 =	sadd.s32 s0, s28;
	s13 =	sadd.s32 s1, s28;
	s14 =	sadd.s32 $0x1400, s5  }
0x13: {  	s15 =	sadd.s32 $0x1800, s5;
	s25 =	simm.s32 $0x4;
	[dreg:$0x7] =	wrdreg s2  }
0x14: {  	s0 =	simm.s32 $0x9;
	[dreg:$0x8] =	wrdreg s26;
	s2 =	simm.s32 $0x8  }
.LBB2_1:
0x15: {  	s1 =	rddreg [dreg:$0x2]  }
0x16: {  	[tilespmem:s4], [sflag:$0x1] =	stream.linear.gather [hbm4b:s1+s4], $0x4000, $0x38;
	[tilespmem:$0x15A00] =	vst v63  }
0x17: {  	s28 =	rddreg [dreg:$0x4];
	s5 =	simm.s32 $0x4000  }
0x18: {  	[tilespmem:s5], [sflag:$0x2] =	stream.linear.gather [hbm4b:s28+s4], $0x4000, $0x38;
	[tilespmem:$0x15A00] =	vst v63  }
0x19: {  	s6 =	rddreg [dreg:$0x7];
	s19 =	simm.s32 $0x8000  }
0x1a: {  	[tilespmem:s19], [sflag:$0x3] =	stream.linear.gather [hbm4b:s6+s4], $0xC0, $0x38;
	[tilespmem:$0x15A00] =	vst v63  }
0x1b: {  	s26 =	rddreg [dreg:$0x8];
	s28 =	simm.s32 $0x8100  }
0x1c: {  	[tilespmem:s28], [sflag:$0x4] =	stream.linear.gather [hbm4b:s26+s4], $0xC0, $0x38;
	[tilespmem:$0x15A00] =	vst v63  }
0x1d: {  	_ = 	snop  }
0x1e: {  	[tilespmem:s20], [sflag:$0x5] =	stream.linear.gather [hbm4b:s7+s4], $0x2000, $0x38;
	[tilespmem:$0x15A00] =	vst v63  }
0x1f: {  	_ = 	snop  }
0x20: {  	[tilespmem:s21], [sflag:$0x6] =	stream.linear.gather [hbm4b:s8+s4], $0x2000, $0x38;
	[tilespmem:$0x15A00] =	vst v63  }
0x21: {  	_ =	swait.ge [sflag:s22], $0x4000  }
0x22: {  	[sflag:s22] =	ssyncset.done $0x0  }
0x23: {  	[sflag:s22] =	ssyncadd.s32 $0xFFFFC000  }
0x24: {  	_ =	swait.ge [sflag:s23], $0x4000  }
0x25: {  	[sflag:s23] =	ssyncset.done $0x0  }
0x26: {  	s19 =	simm.s32 $0x0;
	[sflag:s23] =	ssyncadd.s32 $0xFFFFC000  }
0x27: {  	v0 =	vld [tilespmem:s19+$0xF0]  }
0x28: {  	v1 =	vld [tilespmem:s19+$0xE0]  }
0x29: {  	v3 =	vld [tilespmem:s19+$0xD0]  }
0x2a: {  	v2 =	vld [tilespmem:s19+$0xC0]  }
0x2b: {  	v4 =	vld [tilespmem:s19+$0xB0]  }
0x2c: {  	v5 =	vld [tilespmem:s19+$0xA0]  }
0x2d: {  	v6 =	vld [tilespmem:s19+$0x90]  }
0x2e: {  	v7 =	vld [tilespmem:s19+$0x80]  }
0x2f: {  	v8 =	vld [tilespmem:s19+$0x70]  }
0x30: {  	v9 =	vld [tilespmem:s19+$0x60]  }
0x31: {  	v10 =	vld [tilespmem:s19+$0x50]  }
0x32: {  	v11 =	vld [tilespmem:s19+$0x40]  }
0x33: {  	v12 =	vld [tilespmem:s19+$0x30]  }
0x34: {  	v13 =	vld [tilespmem:s19+$0x20]  }
0x35: {  	v16 =	vld [tilespmem:s19+$0x10]  }
0x36: {  	v14 =	vimm.f32 $-3.000000010e+38;
	v15 =	vimm.f32 $-3.000000010e+38;
	s26 =	simm.s32 $0x400;
	v17 =	vld [tilespmem:s19+$0x0]  }
.LBB2_2:
0x37: {  	p0 =	sne.s32 s26, $0xFC00;
	v18 =	vld [tilespmem:s19+$0x4000]  }
0x38: {  	v19 =	vld [tilespmem:s19+$0x4010]  }
0x39: {  	v20 =	vld [tilespmem:s19+$0x4020]  }
0x3a: {  	v21 =	vld [tilespmem:s19+$0x4030]  }
0x3b: {  	v22 =	vld [tilespmem:s19+$0x4040]  }
0x3c: {  	v18 =	vsub.f32 v17, v18;
	v23 =	vld [tilespmem:s19+$0x4050]  }
0x3d: {  	v19 =	vsub.f32 v16, v19;
	v24 =	vld [tilespmem:s19+$0x4060]  }
0x3e: {  	v14 =	vmax.f32 v14, v17;
	v15 =	vmax.f32 v15, v18;
	v17 =	vsub.f32 v13, v20;
	v18 =	vld [tilespmem:s19+$0x4070]  }
0x3f: {  	v14 =	vmax.f32 v14, v16;
	v15 =	vmax.f32 v15, v19;
	v16 =	vsub.f32 v12, v21;
	v19 =	vld [tilespmem:s19+$0x4080]  }
0x40: {  	v13 =	vmax.f32 v14, v13;
	v14 =	vmax.f32 v15, v17;
	v15 =	vsub.f32 v11, v22;
	v17 =	vld [tilespmem:s19+$0x4090]  }
0x41: {  	v12 =	vmax.f32 v13, v12;
	v13 =	vmax.f32 v14, v16;
	v14 =	vsub.f32 v10, v23;
	v16 =	vld [tilespmem:s19+$0x40A0]  }
0x42: {  	v11 =	vmax.f32 v12, v11;
	v12 =	vmax.f32 v13, v15;
	v13 =	vsub.f32 v9, v24;
	v15 =	vld [tilespmem:s19+$0x40B0]  }
0x43: {  	v10 =	vmax.f32 v11, v10;
	v11 =	vmax.f32 v12, v14;
	v12 =	vsub.f32 v8, v18;
	v14 =	vld [tilespmem:s19+$0x40C0]  }
0x44: {  	v9 =	vmax.f32 v10, v9;
	v10 =	vmax.f32 v11, v13;
	v11 =	vsub.f32 v7, v19;
	v13 =	vld [tilespmem:s19+$0x40D0]  }
0x45: {  	v8 =	vmax.f32 v9, v8;
	v9 =	vmax.f32 v10, v12;
	v10 =	vsub.f32 v6, v17;
	v12 =	vld [tilespmem:s19+$0x40E0]  }
0x46: {  	v7 =	vmax.f32 v8, v7;
	v8 =	vmax.f32 v9, v11;
	v9 =	vsub.f32 v5, v16;
	v11 =	vld [tilespmem:s19+$0x40F0];
	s19 =	sshra.s32 s26, $0x2  }
0x47: {  	v6 =	vmax.f32 v7, v6;
	v16 =	vld [tilespmem:s19+$0xF0];
	v7 =	vmax.f32 v8, v10;
	v8 =	vsub.f32 v4, v15  }
0x48: {  	v5 =	vmax.f32 v6, v5;
	v10 =	vld [tilespmem:s19+$0xE0];
	v6 =	vmax.f32 v7, v9;
	v7 =	vsub.f32 v2, v14  }
0x49: {  	v4 =	vmax.f32 v5, v4;
	v9 =	vld [tilespmem:s19+$0xD0];
	v5 =	vmax.f32 v6, v8;
	v6 =	vsub.f32 v3, v13  }
0x4a: {  	v8 =	vmax.f32 v4, v2;
	v2 =	vld [tilespmem:s19+$0xC0];
	v5 =	vmax.f32 v5, v7;
	v7 =	vsub.f32 v1, v12  }
0x4b: {  	v3 =	vmax.f32 v8, v3;
	v4 =	vld [tilespmem:s19+$0xB0];
	v6 =	vmax.f32 v5, v6;
	v8 =	vsub.f32 v0, v11  }
0x4c: {  	v11 =	vmax.f32 v3, v1;
	v5 =	vld [tilespmem:s19+$0xA0];
	v12 =	vmax.f32 v6, v7  }
0x4d: {  	v14 =	vmax.f32 v11, v0;
	v0 =	vmovc v16;
	v6 =	vld [tilespmem:s19+$0x90];
	v15 =	vmax.f32 v12, v8;
	v1 =	vmov v10  }
0x4e: {  	v7 =	vld [tilespmem:s19+$0x80];
	v3 =	vmov v9  }
0x4f: {  	v8 =	vld [tilespmem:s19+$0x70]  }
0x50: {  	v9 =	vld [tilespmem:s19+$0x60]  }
0x51: {  	v10 =	vld [tilespmem:s19+$0x50]  }
.Ltmp0:
0x52: {  	v11 =	vld [tilespmem:s19+$0x40];
	(pc) =	sbr.rel @p0 .LBB2_2-.Ltmp0, $4  }
0x53: {  	v12 =	vld [tilespmem:s19+$0x30]  }
0x54: {  	v13 =	vld [tilespmem:s19+$0x20]  }
0x55: {  	v16 =	vld [tilespmem:s19+$0x10]  }
0x56: {  	s26 =	sadd.s32 $0x400, s26;
	v17 =	vld [tilespmem:s19+$0x0]  }
0x57: {  	v18 =	vld [tilespmem:s19+$0x4000]  }
0x58: {  	v19 =	vld [tilespmem:s19+$0x4010]  }
0x59: {  	v20 =	vld [tilespmem:s19+$0x4020]  }
0x5a: {  	v21 =	vld [tilespmem:s19+$0x4030]  }
0x5b: {  	v22 =	vld [tilespmem:s19+$0x4040]  }
0x5c: {  	v23 =	vld [tilespmem:s19+$0x4050];
	v18 =	vsub.f32 v17, v18  }
0x5d: {  	v24 =	vld [tilespmem:s19+$0x4060];
	v14 =	vmax.f32 v14, v17;
	v19 =	vsub.f32 v16, v19  }
0x5e: {  	v37 =	vld [tilespmem:s19+$0x4070];
	v36 =	vsub.f32 v13, v20;
	v14 =	vmax.f32 v14, v16;
	v15 =	vmax.f32 v15, v18  }
0x5f: {  	v39 =	vld [tilespmem:s19+$0x4080];
	v38 =	vsub.f32 v12, v21;
	v40 =	vmax.f32 v14, v13;
	v15 =	vmax.f32 v15, v19  }
0x60: {  	v43 =	vld [tilespmem:s19+$0x4090];
	v42 =	vsub.f32 v11, v22;
	v44 =	vmax.f32 v40, v12;
	v41 =	vmax.f32 v15, v36  }
0x61: {  	v47 =	vld [tilespmem:s19+$0x40A0];
	v46 =	vsub.f32 v10, v23;
	v48 =	vmax.f32 v44, v11;
	v45 =	vmax.f32 v41, v38  }
0x62: {  	v51 =	vld [tilespmem:s19+$0x40B0];
	v50 =	vsub.f32 v9, v24;
	v52 =	vmax.f32 v48, v10;
	v49 =	vmax.f32 v45, v42  }
0x63: {  	v55 =	vld [tilespmem:s19+$0x40C0];
	v54 =	vsub.f32 v8, v37;
	v56 =	vmax.f32 v52, v9;
	v53 =	vmax.f32 v49, v46  }
0x64: {  	v59 =	vld [tilespmem:s19+$0x40D0];
	v58 =	vsub.f32 v7, v39;
	v60 =	vmax.f32 v56, v8;
	v57 =	vmax.f32 v53, v50  }
0x65: {  	v63 =	vld [tilespmem:s19+$0x40E0];
	v62 =	vsub.f32 v6, v43;
	v17 =	vmax.f32 v60, v7;
	v61 =	vmax.f32 v57, v54  }
0x66: {  	v20 =	vld [tilespmem:s19+$0x40F0];
	v19 =	vsub.f32 v5, v47;
	v21 =	vmax.f32 v17, v6;
	v18 =	vmax.f32 v61, v58  }
0x67: {  	v23 =	vsub.f32 v4, v51;
	v24 =	vmax.f32 v21, v5;
	v22 =	vmax.f32 v18, v62  }
0x68: {  	v26 =	vsub.f32 v2, v55;
	v27 =	vmax.f32 v24, v4;
	v25 =	vmax.f32 v22, v19  }
0x69: {  	v29 =	vsub.f32 v3, v59;
	v2 =	vmax.f32 v27, v2;
	v28 =	vmax.f32 v25, v23  }
0x6a: {  	v31 =	vsub.f32 v1, v63;
	v2 =	vmax.f32 v2, v3;
	v30 =	vmax.f32 v28, v26  }
0x6b: {  	v32 =	vsub.f32 v0, v20;
	v1 =	vmax.f32 v2, v1;
	v3 =	vmax.f32 v30, v29  }
0x6c: {  	v0 =	vmax.f32 v1, v0;
	v2 =	vmax.f32 v3, v31  }
0x6d: {  	(xrf0) =	vmax.scan.msk.f32 $0xffff, v0;
	v1 =	vmax.f32 v2, v32  }
0x6e: {  	(xrf0) =	vmax.scan.msk.f32 $0xffff, v1;
	_ =	sdelay $0x4  }
0x6f: {  	v0, _, _ =	vpop (xrf0)  }
0x70: {  	v1, _, _ =	vpop (xrf0)  }
0x71: {  	_ =	swait.ge [sflag:s24], $0xC0  }
0x72: {  	[sflag:s24] =	ssyncset.done $0x0  }
0x73: {  	[sflag:s24] =	ssyncadd.s32 $0xFFFFFF40  }
0x74: {  	_ =	swait.ge [sflag:s25], $0xC0  }
0x75: {  	[sflag:s25] =	ssyncset.done $0x0  }
0x76: {  	s1 =	simm.s32 $0x0;
	[sflag:s25] =	ssyncadd.s32 $0xFFFFFF40  }
0x77: {  	v2 =	vld [tilespmem:s1+$0x8000]  }
0x78: {  	v3 =	vld [tilespmem:s1+$0x8100];
	_ =	sdelay $0x1  }
0x79: {  	v1 =	vbroadcast v1, $0xF  }
0x7a: {  	v0 =	vbroadcast v0, $0xF  }
0x7b: {  	v2 =	vmin.f32 v2, v1  }
0x7c: {  	v3 =	vmin.f32 v3, v0;
	v33 =	vbroadcast v2, $0x0  }
0x7d: {  	s5 =	simm.s32 $0x14280;
	v34 =	vbroadcast v3, $0x0  }
0x7e: {  	s19 =	simm.s32 $0x14E80;
	v35 =	vbroadcast v2, $0x1;
	[tilespmem:s5+$0xFFFFFF80] =	vst v33  }
0x7f: {  	v36 =	vbroadcast v3, $0x1;
	[tilespmem:s19+$0xFFFFFF80] =	vst v34  }
0x80: {  	v37 =	vbroadcast v2, $0x2;
	[tilespmem:s5+$0xFFFFFF90] =	vst v35  }
0x81: {  	v38 =	vbroadcast v3, $0x2;
	[tilespmem:s19+$0xFFFFFF90] =	vst v36  }
0x82: {  	v39 =	vbroadcast v2, $0x3;
	[tilespmem:s5+$0xFFFFFFA0] =	vst v37  }
0x83: {  	v40 =	vbroadcast v3, $0x3;
	[tilespmem:s19+$0xFFFFFFA0] =	vst v38  }
0x84: {  	v41 =	vbroadcast v2, $0x4;
	[tilespmem:s5+$0xFFFFFFB0] =	vst v39  }
0x85: {  	v42 =	vbroadcast v3, $0x4;
	[tilespmem:s19+$0xFFFFFFB0] =	vst v40  }
0x86: {  	v43 =	vbroadcast v2, $0x5;
	[tilespmem:s5+$0xFFFFFFC0] =	vst v41  }
0x87: {  	v44 =	vbroadcast v3, $0x5;
	[tilespmem:s19+$0xFFFFFFC0] =	vst v42  }
0x88: {  	v45 =	vbroadcast v2, $0x6;
	[tilespmem:s5+$0xFFFFFFD0] =	vst v43  }
0x89: {  	v46 =	vbroadcast v3, $0x6;
	[tilespmem:s19+$0xFFFFFFD0] =	vst v44  }
0x8a: {  	v47 =	vbroadcast v2, $0x7;
	[tilespmem:s5+$0xFFFFFFE0] =	vst v45  }
0x8b: {  	v48 =	vbroadcast v3, $0x7;
	[tilespmem:s19+$0xFFFFFFE0] =	vst v46  }
0x8c: {  	v49 =	vbroadcast v2, $0x8;
	[tilespmem:s5+$0xFFFFFFF0] =	vst v47  }
0x8d: {  	v50 =	vbroadcast v3, $0x8;
	[tilespmem:s19+$0xFFFFFFF0] =	vst v48  }
0x8e: {  	v51 =	vbroadcast v2, $0x9;
	[tilespmem:s5+$0x0] =	vst v49  }
0x8f: {  	v52 =	vbroadcast v3, $0x9;
	[tilespmem:s19+$0x0] =	vst v50  }
0x90: {  	v53 =	vbroadcast v2, $0xA;
	[tilespmem:s5+$0x10] =	vst v51  }
0x91: {  	v54 =	vbroadcast v3, $0xA;
	[tilespmem:s19+$0x10] =	vst v52  }
0x92: {  	v55 =	vbroadcast v2, $0xB;
	[tilespmem:s5+$0x20] =	vst v53  }
0x93: {  	v56 =	vbroadcast v3, $0xB;
	[tilespmem:s19+$0x20] =	vst v54  }
0x94: {  	v57 =	vbroadcast v2, $0xC;
	[tilespmem:s5+$0x30] =	vst v55  }
0x95: {  	v58 =	vbroadcast v3, $0xC;
	[tilespmem:s19+$0x30] =	vst v56  }
0x96: {  	v59 =	vbroadcast v2, $0xD;
	[tilespmem:s5+$0x40] =	vst v57  }
0x97: {  	v60 =	vbroadcast v3, $0xD;
	[tilespmem:s19+$0x40] =	vst v58  }
0x98: {  	v61 =	vbroadcast v2, $0xE;
	[tilespmem:s5+$0x50] =	vst v59  }
0x99: {  	v62 =	vbroadcast v3, $0xE;
	[tilespmem:s19+$0x50] =	vst v60  }
0x9a: {  	v63 =	vbroadcast v2, $0xF;
	[tilespmem:s5+$0x60] =	vst v61  }
0x9b: {  	[tilespmem:s19+$0x60] =	vst v62  }
0x9c: {  	s28 =	simm.s32 $0x40;
	s26 =	simm.s32 $0x14380;
	s1 =	simm.s32 $0x80;
	v2 =	vbroadcast v3, $0xF;
	[tilespmem:s5+$0x70] =	vst v63  }
.LBB2_4:
0x9d: {  	s6 =	sshra.s32 s28, $0x2  }
0x9e: {  	[tilespmem:s19+$0x70] =	vst v2;
	s19 =	sadd.s32 $0x100, s19;
	s28 =	smov.u32 s1;
	s5 =	sadd.s32 $0x40, s1  }
0x9f: {  	p0 =	sne.s32 s1, $0x2C0;
	v2 =	vld [tilespmem:s6+$0x8000]  }
0xa0: {  	v3 =	vld [tilespmem:s6+$0x8100];
	_ =	sdelay $0x3  }
0xa1: {  	v2 =	vmin.f32 v2, v1  }
0xa2: {  	v3 =	vmin.f32 v3, v0;
	v4 =	vbroadcast v2, $0x0  }
0xa3: {  	v5 =	vbroadcast v3, $0x0  }
0xa4: {  	[tilespmem:s26+$0xFFFFFF80] =	vst v4;
	v4 =	vbroadcast v2, $0x1  }
0xa5: {  	[tilespmem:s19+$0xFFFFFF80] =	vst v5;
	v5 =	vbroadcast v3, $0x1  }
0xa6: {  	[tilespmem:s26+$0xFFFFFF90] =	vst v4;
	v4 =	vbroadcast v2, $0x2  }
0xa7: {  	[tilespmem:s19+$0xFFFFFF90] =	vst v5;
	v5 =	vbroadcast v3, $0x2  }
0xa8: {  	[tilespmem:s26+$0xFFFFFFA0] =	vst v4;
	v4 =	vbroadcast v2, $0x3  }
0xa9: {  	[tilespmem:s19+$0xFFFFFFA0] =	vst v5;
	v5 =	vbroadcast v3, $0x3  }
0xaa: {  	[tilespmem:s26+$0xFFFFFFB0] =	vst v4;
	v4 =	vbroadcast v2, $0x4  }
0xab: {  	[tilespmem:s19+$0xFFFFFFB0] =	vst v5;
	v5 =	vbroadcast v3, $0x4  }
0xac: {  	[tilespmem:s26+$0xFFFFFFC0] =	vst v4;
	v4 =	vbroadcast v2, $0x5  }
0xad: {  	[tilespmem:s19+$0xFFFFFFC0] =	vst v5;
	v5 =	vbroadcast v3, $0x5  }
0xae: {  	[tilespmem:s26+$0xFFFFFFD0] =	vst v4;
	v4 =	vbroadcast v2, $0x6  }
0xaf: {  	[tilespmem:s19+$0xFFFFFFD0] =	vst v5;
	v5 =	vbroadcast v3, $0x6  }
0xb0: {  	[tilespmem:s26+$0xFFFFFFE0] =	vst v4;
	v4 =	vbroadcast v2, $0x7  }
0xb1: {  	[tilespmem:s19+$0xFFFFFFE0] =	vst v5;
	v5 =	vbroadcast v3, $0x7  }
0xb2: {  	[tilespmem:s26+$0xFFFFFFF0] =	vst v4;
	v4 =	vbroadcast v2, $0x8  }
0xb3: {  	[tilespmem:s19+$0xFFFFFFF0] =	vst v5;
	v5 =	vbroadcast v3, $0x8  }
0xb4: {  	[tilespmem:s26+$0x0] =	vst v4;
	v4 =	vbroadcast v2, $0x9  }
0xb5: {  	[tilespmem:s19+$0x0] =	vst v5;
	v5 =	vbroadcast v3, $0x9  }
0xb6: {  	[tilespmem:s26+$0x10] =	vst v4;
	v4 =	vbroadcast v2, $0xA  }
0xb7: {  	[tilespmem:s19+$0x10] =	vst v5;
	v5 =	vbroadcast v3, $0xA  }
0xb8: {  	[tilespmem:s26+$0x20] =	vst v4;
	v4 =	vbroadcast v2, $0xB  }
0xb9: {  	[tilespmem:s19+$0x20] =	vst v5;
	v5 =	vbroadcast v3, $0xB  }
0xba: {  	[tilespmem:s26+$0x30] =	vst v4;
	v4 =	vbroadcast v2, $0xC  }
0xbb: {  	[tilespmem:s19+$0x30] =	vst v5;
	v5 =	vbroadcast v3, $0xC  }
0xbc: {  	[tilespmem:s26+$0x40] =	vst v4;
	v4 =	vbroadcast v2, $0xD  }
0xbd: {  	[tilespmem:s19+$0x40] =	vst v5;
	v5 =	vbroadcast v3, $0xD  }
.Ltmp1:
0xbe: {  	[tilespmem:s26+$0x50] =	vst v4;
	v4 =	vbroadcast v2, $0xE;
	(pc) =	sbr.rel @p0 .LBB2_4-.Ltmp1, $4  }
0xbf: {  	[tilespmem:s19+$0x50] =	vst v5;
	v5 =	vbroadcast v3, $0xE  }
0xc0: {  	[tilespmem:s26+$0x60] =	vst v4;
	v4 =	vbroadcast v2, $0xF  }
0xc1: {  	v2 =	vbroadcast v3, $0xF;
	[tilespmem:s19+$0x60] =	vst v5  }
0xc2: {  	s1 =	smov.u32 s5;
	[tilespmem:s26+$0x70] =	vst v4;
	s26 =	sadd.s32 $0x100, s26  }
0xc3: {  	s1 =	sshra.s32 s28, $0x2;
	[tilespmem:s19+$0x70] =	vst v2  }
0xc4: {  	v2 =	vld [tilespmem:s1+$0x8000]  }
0xc5: {  	v3 =	vld [tilespmem:s1+$0x8100];
	_ =	sdelay $0x3  }
0xc6: {  	v1 =	vmin.f32 v2, v1  }
0xc7: {  	v0 =	vmin.f32 v3, v0;
	v2 =	vbroadcast v1, $0x0  }
0xc8: {  	v3 =	vbroadcast v0, $0x0  }
0xc9: {  	s6 =	sadd.s32 $0x100, s19;
	[tilespmem:s26+$0xFFFFFF80] =	vst v2;
	v2 =	vbroadcast v1, $0x1  }
0xca: {  	[tilespmem:s6+$0xFFFFFF80] =	vst v3;
	v3 =	vbroadcast v0, $0x1  }
0xcb: {  	[tilespmem:s26+$0xFFFFFF90] =	vst v2;
	v2 =	vbroadcast v1, $0x2  }
0xcc: {  	[tilespmem:s6+$0xFFFFFF90] =	vst v3;
	v3 =	vbroadcast v0, $0x2  }
0xcd: {  	[tilespmem:s26+$0xFFFFFFA0] =	vst v2;
	v2 =	vbroadcast v1, $0x3  }
0xce: {  	[tilespmem:s6+$0xFFFFFFA0] =	vst v3;
	v3 =	vbroadcast v0, $0x3  }
0xcf: {  	[tilespmem:s26+$0xFFFFFFB0] =	vst v2;
	v2 =	vbroadcast v1, $0x4  }
0xd0: {  	[tilespmem:s6+$0xFFFFFFB0] =	vst v3;
	v3 =	vbroadcast v0, $0x4  }
0xd1: {  	[tilespmem:s26+$0xFFFFFFC0] =	vst v2;
	v2 =	vbroadcast v1, $0x5  }
0xd2: {  	[tilespmem:s6+$0xFFFFFFC0] =	vst v3;
	v3 =	vbroadcast v0, $0x5  }
0xd3: {  	[tilespmem:s26+$0xFFFFFFD0] =	vst v2;
	v2 =	vbroadcast v1, $0x6  }
0xd4: {  	[tilespmem:s6+$0xFFFFFFD0] =	vst v3;
	v3 =	vbroadcast v0, $0x6  }
0xd5: {  	[tilespmem:s26+$0xFFFFFFE0] =	vst v2;
	v2 =	vbroadcast v1, $0x7  }
0xd6: {  	[tilespmem:s6+$0xFFFFFFE0] =	vst v3;
	v3 =	vbroadcast v0, $0x7  }
0xd7: {  	[tilespmem:s26+$0xFFFFFFF0] =	vst v2;
	v2 =	vbroadcast v1, $0x8  }
0xd8: {  	[tilespmem:s6+$0xFFFFFFF0] =	vst v3;
	v3 =	vbroadcast v0, $0x8  }
0xd9: {  	[tilespmem:s26+$0x0] =	vst v2;
	v2 =	vbroadcast v1, $0x9  }
0xda: {  	[tilespmem:s6+$0x0] =	vst v3;
	v3 =	vbroadcast v0, $0x9  }
0xdb: {  	[tilespmem:s26+$0x10] =	vst v2;
	v2 =	vbroadcast v1, $0xA  }
0xdc: {  	[tilespmem:s6+$0x10] =	vst v3;
	v3 =	vbroadcast v0, $0xA  }
0xdd: {  	[tilespmem:s26+$0x20] =	vst v2;
	v2 =	vbroadcast v1, $0xB  }
0xde: {  	[tilespmem:s6+$0x20] =	vst v3;
	v3 =	vbroadcast v0, $0xB  }
0xdf: {  	[tilespmem:s26+$0x30] =	vst v2;
	v2 =	vbroadcast v1, $0xC  }
0xe0: {  	[tilespmem:s6+$0x30] =	vst v3;
	v3 =	vbroadcast v0, $0xC  }
0xe1: {  	[tilespmem:s26+$0x40] =	vst v2;
	v2 =	vbroadcast v1, $0xD  }
0xe2: {  	[tilespmem:s6+$0x40] =	vst v3;
	v3 =	vbroadcast v0, $0xD  }
0xe3: {  	[tilespmem:s26+$0x50] =	vst v2;
	v2 =	vbroadcast v1, $0xE  }
0xe4: {  	[tilespmem:s6+$0x50] =	vst v3;
	v3 =	vbroadcast v0, $0xE  }
0xe5: {  	v1 =	vbroadcast v1, $0xF;
	[tilespmem:s26+$0x60] =	vst v2  }
0xe6: {  	v0 =	vbroadcast v0, $0xF;
	[tilespmem:s6+$0x60] =	vst v3  }
0xe7: {  	[tilespmem:s26+$0x70] =	vst v1  }
0xe8: {  	s19 =	simm.s32 $0x0;
	s5 =	simm.s32 $0xE200;
	[tilespmem:s6+$0x70] =	vst v0  }
0xe9: {  	[tilespmem:s5], [sflag:$0x8] =	stream.linear.gather [hbm4b:s9+s19], $0x2000, $0x38;
	[tilespmem:$0x15A00] =	vst v63  }
0xea: {  	s26 =	simm.s32 $0x10200  }
0xeb: {  	[tilespmem:s26], [sflag:$0x9] =	stream.linear.gather [hbm4b:s10+s19], $0x2000, $0x38;
	[tilespmem:$0x15A00] =	vst v63  }
0xec: {  	_ =	swait.ge [sflag:s29], $0x2000  }
0xed: {  	[sflag:s29] =	ssyncset.done $0x0  }
0xee: {  	[sflag:s29] =	ssyncadd.s32 $0xFFFFE000  }
0xef: {  	_ =	swait.ge [sflag:s30], $0x2000  }
0xf0: {  	[sflag:s30] =	ssyncset.done $0x0  }
0xf1: {  	s19 =	simm.s32 $0x0;
	[sflag:s30] =	ssyncadd.s32 $0xFFFFE000  }
0xf2: {  	v0 =	vld [tilespmem:s19+$0x8200]  }
0xf3: {  	v3 =	vld [tilespmem:s19+$0x8210]  }
0xf4: {  	v2 =	vld [tilespmem:s19+$0xA210]  }
0xf5: {  	v4 =	vld [tilespmem:s19+$0x8220]  }
0xf6: {  	v6 =	vld [tilespmem:s19+$0xA220]  }
0xf7: {  	v9 =	vld [tilespmem:s19+$0x8230]  }
0xf8: {  	v8 =	vld [tilespmem:s19+$0xA230]  }
0xf9: {  	v5 =	vld [tilespmem:s19+$0x8240]  }
0xfa: {  	s1 =	simm.s32 $0x14200;
	v7 =	vld [tilespmem:s19+$0xA240]  }
0xfb: {  	s28 =	simm.s32 $0x200;
	s26 =	simm.s32 $0x14E00;
	v1 =	vld [tilespmem:s1+$0x0]  }
.LBB2_6:
0xfc: {  	p0 =	sne.s32 s28, $0x7E00;
	v10 =	vld [tilespmem:s26+$0x0]  }
0xfd: {  	v11 =	vld [tilespmem:s19+$0x8250]  }
0xfe: {  	v12 =	vld [tilespmem:s19+$0xA250]  }
0xff: {  	v13 =	vld [tilespmem:s19+$0x8260]  }
0x100: {  	v3 =	vmul.f32 v3, v1;
	v9 =	vmul.f32 v9, v1;
	v14 =	vld [tilespmem:s19+$0xA260]  }
0x101: {  	v4 =	vmul.f32 v4, v1;
	v6 =	vmul.f32 v6, v10;
	v15 =	vld [tilespmem:s19+$0x8270]  }
0x102: {  	v2 =	vmul.f32 v2, v10;
	v8 =	vmul.f32 v8, v10;
	v16 =	vld [tilespmem:s19+$0xA270]  }
0x103: {  	s5 =	sshra.s32 s28, $0x2;
	v5 =	vmul.f32 v5, v1;
	v17 =	vld [tilespmem:s19+$0xA200];
	v4 =	vadd.f32 v6, v4;
	v6 =	vmul.f32 v7, v10  }
0x104: {  	v18 =	vadd.f32 v2, v3;
	v8 =	vadd.f32 v8, v9;
	v9 =	vmul.f32 v11, v1;
	v7 =	vld [tilespmem:s5+$0x8200]  }
0x105: {  	v11 =	vmul.f32 v13, v1;
	v3 =	vld [tilespmem:s5+$0x8210];
	[tilespmem:s19+$0xC220] =	vst v4;
	v5 =	vadd.f32 v6, v5;
	v6 =	vmul.f32 v12, v10  }
0x106: {  	v12 =	vmul.f32 v14, v10;
	v2 =	vld [tilespmem:s5+$0xA210];
	[tilespmem:s19+$0xC210] =	vst v18;
	v13 =	vmul.f32 v15, v1  }
0x107: {  	v1 =	vmul.f32 v0, v1;
	v4 =	vld [tilespmem:s5+$0x8220];
	[tilespmem:s19+$0xC230] =	vst v8;
	v14 =	vadd.f32 v6, v9;
	v8 =	vmul.f32 v16, v10  }
0x108: {  	v6 =	vld [tilespmem:s5+$0xA220];
	v10 =	vmul.f32 v17, v10;
	[tilespmem:s19+$0xC240] =	vst v5;
	v5 =	vadd.f32 v12, v11  }
.Ltmp2:
0x109: {  	v9 =	vld [tilespmem:s5+$0x8230];
	[tilespmem:s19+$0xC250] =	vst v14;
	v11 =	vadd.f32 v8, v13;
	v0 =	vmov v7;
	(pc) =	sbr.rel @p0 .LBB2_6-.Ltmp2, $4  }
0x10a: {  	v8 =	vld [tilespmem:s5+$0xA230];
	v1 =	vadd.f32 v10, v1;
	[tilespmem:s19+$0xC260] =	vst v5  }
0x10b: {  	v5 =	vld [tilespmem:s5+$0x8240];
	[tilespmem:s19+$0xC270] =	vst v11  }
0x10c: {  	s1 =	sadd.s32 $0x10, s1;
	v7 =	vld [tilespmem:s5+$0xA240];
	[tilespmem:s19+$0xC200] =	vst v1;
	s19 =	smov.u32 s5  }
0x10d: {  	s28 =	sadd.s32 $0x200, s28;
	s26 =	sadd.s32 $0x10, s26;
	v1 =	vld [tilespmem:s1+$0x0]  }
0x10e: {  	v10 =	vld [tilespmem:s26+$0x0]  }
0x10f: {  	v11 =	vld [tilespmem:s19+$0x8250]  }
0x110: {  	v12 =	vld [tilespmem:s19+$0xA250]  }
0x111: {  	v13 =	vld [tilespmem:s19+$0x8260]  }
0x112: {  	v14 =	vld [tilespmem:s19+$0xA260];
	v4 =	vmul.f32 v4, v1  }
0x113: {  	v15 =	vld [tilespmem:s19+$0x8270];
	v3 =	vmul.f32 v3, v1;
	v6 =	vmul.f32 v6, v10  }
0x114: {  	v17 =	vld [tilespmem:s19+$0xA200];
	v9 =	vmul.f32 v9, v1;
	v2 =	vmul.f32 v2, v10  }
0x115: {  	v16 =	vld [tilespmem:s19+$0xA270];
	v5 =	vmul.f32 v5, v1;
	v8 =	vmul.f32 v8, v10;
	v4 =	vadd.f32 v6, v4  }
0x116: {  	v0 =	vmul.f32 v0, v1;
	v6 =	vmul.f32 v7, v10;
	v2 =	vadd.f32 v2, v3  }
0x117: {  	v3 =	vadd.f32 v8, v9;
	v7 =	vmul.f32 v11, v1;
	[tilespmem:s19+$0xC220] =	vst v4;
	v4 =	vmul.f32 v12, v10  }
0x118: {  	v5 =	vadd.f32 v6, v5;
	v6 =	vmul.f32 v13, v1;
	[tilespmem:s19+$0xC210] =	vst v2;
	v2 =	vmul.f32 v14, v10  }
0x119: {  	v8 =	vmul.f32 v15, v1;
	[tilespmem:s19+$0xC230] =	vst v3;
	v1 =	vmul.f32 v17, v10;
	v3 =	vadd.f32 v4, v7  }
0x11a: {  	v4 =	vmul.f32 v16, v10;
	[tilespmem:s19+$0xC240] =	vst v5;
	v2 =	vadd.f32 v2, v6  }
0x11b: {  	v0 =	vadd.f32 v1, v0;
	[tilespmem:s19+$0xC250] =	vst v3  }
0x11c: {  	v3 =	vadd.f32 v4, v8;
	[tilespmem:s19+$0xC260] =	vst v2  }
0x11d: {  	[tilespmem:s19+$0xC200] =	vst v0  }
0x11e: {  	s1 =	simm.s32 $0x0;
	[tilespmem:s19+$0xC270] =	vst v3  }
0x11f: {  	[hbm4b:s11+s1] =	stream.linear.scatter [tilespmem:s31], [sflag:$0x7], $0x2000, $0x38;
	[tilespmem:$0x15A00] =	vst v63  }
0x120: {  	_ = 	snop  }
0x121: {  	[tilespmem:s20], [sflag:$0x5] =	stream.linear.gather [hbm4b:s12+s1], $0x2000, $0x38;
	[tilespmem:$0x15A00] =	vst v63  }
0x122: {  	_ = 	snop  }
0x123: {  	[tilespmem:s21], [sflag:$0x6] =	stream.linear.gather [hbm4b:s13+s1], $0x2000, $0x38;
	[tilespmem:$0x15A00] =	vst v63  }
0x124: {  	_ =	swait.ge [sflag:s2], $0x2000  }
0x125: {  	[sflag:s2] =	ssyncset.done $0x0  }
0x126: {  	[sflag:s2] =	ssyncadd.s32 $0xFFFFE000  }
0x127: {  	_ =	swait.ge [sflag:s0], $0x2000  }
0x128: {  	[sflag:s0] =	ssyncset.done $0x0  }
0x129: {  	s19 =	simm.s32 $0x0;
	[sflag:s0] =	ssyncadd.s32 $0xFFFFE000  }
0x12a: {  	v0 =	vld [tilespmem:s19+$0xE200]  }
0x12b: {  	v3 =	vld [tilespmem:s19+$0xE210]  }
0x12c: {  	v2 =	vld [tilespmem:s19+$0x10210]  }
0x12d: {  	v4 =	vld [tilespmem:s19+$0xE220]  }
0x12e: {  	v6 =	vld [tilespmem:s19+$0x10220]  }
0x12f: {  	v9 =	vld [tilespmem:s19+$0xE230]  }
0x130: {  	v8 =	vld [tilespmem:s19+$0x10230]  }
0x131: {  	v5 =	vld [tilespmem:s19+$0xE240]  }
0x132: {  	s1 =	simm.s32 $0x14600;
	v7 =	vld [tilespmem:s19+$0x10240]  }
0x133: {  	s26 =	simm.s32 $0x15200;
	s28 =	simm.s32 $0x200;
	v1 =	vld [tilespmem:s1+$0x0]  }
.LBB2_8:
0x134: {  	p0 =	sne.s32 s28, $0x7E00;
	v10 =	vld [tilespmem:s26+$0x0]  }
0x135: {  	v11 =	vld [tilespmem:s19+$0xE250]  }
0x136: {  	v12 =	vld [tilespmem:s19+$0x10250]  }
0x137: {  	v13 =	vld [tilespmem:s19+$0xE260]  }
0x138: {  	v3 =	vmul.f32 v3, v1;
	v9 =	vmul.f32 v9, v1;
	v14 =	vld [tilespmem:s19+$0x10260]  }
0x139: {  	v4 =	vmul.f32 v4, v1;
	v6 =	vmul.f32 v6, v10;
	v15 =	vld [tilespmem:s19+$0xE270]  }
0x13a: {  	v2 =	vmul.f32 v2, v10;
	v8 =	vmul.f32 v8, v10;
	v16 =	vld [tilespmem:s19+$0x10270]  }
0x13b: {  	s5 =	sshra.s32 s28, $0x2;
	v5 =	vmul.f32 v5, v1;
	v17 =	vld [tilespmem:s19+$0x10200];
	v4 =	vadd.f32 v6, v4;
	v6 =	vmul.f32 v7, v10  }
0x13c: {  	v18 =	vadd.f32 v2, v3;
	v8 =	vadd.f32 v8, v9;
	v9 =	vmul.f32 v11, v1;
	v7 =	vld [tilespmem:s5+$0xE200]  }
0x13d: {  	v11 =	vmul.f32 v13, v1;
	v3 =	vld [tilespmem:s5+$0xE210];
	[tilespmem:s19+$0x12220] =	vst v4;
	v5 =	vadd.f32 v6, v5;
	v6 =	vmul.f32 v12, v10  }
0x13e: {  	v12 =	vmul.f32 v14, v10;
	v2 =	vld [tilespmem:s5+$0x10210];
	[tilespmem:s19+$0x12210] =	vst v18;
	v13 =	vmul.f32 v15, v1  }
0x13f: {  	v1 =	vmul.f32 v0, v1;
	v4 =	vld [tilespmem:s5+$0xE220];
	[tilespmem:s19+$0x12230] =	vst v8;
	v14 =	vadd.f32 v6, v9;
	v8 =	vmul.f32 v16, v10  }
0x140: {  	v6 =	vld [tilespmem:s5+$0x10220];
	v10 =	vmul.f32 v17, v10;
	[tilespmem:s19+$0x12240] =	vst v5;
	v5 =	vadd.f32 v12, v11  }
.Ltmp3:
0x141: {  	v9 =	vld [tilespmem:s5+$0xE230];
	[tilespmem:s19+$0x12250] =	vst v14;
	v11 =	vadd.f32 v8, v13;
	v0 =	vmov v7;
	(pc) =	sbr.rel @p0 .LBB2_8-.Ltmp3, $4  }
0x142: {  	v8 =	vld [tilespmem:s5+$0x10230];
	v1 =	vadd.f32 v10, v1;
	[tilespmem:s19+$0x12260] =	vst v5  }
0x143: {  	v5 =	vld [tilespmem:s5+$0xE240];
	[tilespmem:s19+$0x12270] =	vst v11  }
0x144: {  	s1 =	sadd.s32 $0x10, s1;
	v7 =	vld [tilespmem:s5+$0x10240];
	[tilespmem:s19+$0x12200] =	vst v1;
	s19 =	smov.u32 s5  }
0x145: {  	s28 =	sadd.s32 $0x200, s28;
	s26 =	sadd.s32 $0x10, s26;
	v1 =	vld [tilespmem:s1+$0x0]  }
0x146: {  	v10 =	vld [tilespmem:s26+$0x0]  }
0x147: {  	v11 =	vld [tilespmem:s19+$0xE250]  }
0x148: {  	v12 =	vld [tilespmem:s19+$0x10250]  }
0x149: {  	v13 =	vld [tilespmem:s19+$0xE260]  }
0x14a: {  	v14 =	vld [tilespmem:s19+$0x10260];
	v4 =	vmul.f32 v4, v1  }
0x14b: {  	v15 =	vld [tilespmem:s19+$0xE270];
	v3 =	vmul.f32 v3, v1;
	v6 =	vmul.f32 v6, v10  }
0x14c: {  	v17 =	vld [tilespmem:s19+$0x10200];
	v9 =	vmul.f32 v9, v1;
	v2 =	vmul.f32 v2, v10  }
0x14d: {  	v16 =	vld [tilespmem:s19+$0x10270];
	v5 =	vmul.f32 v5, v1;
	v8 =	vmul.f32 v8, v10;
	v4 =	vadd.f32 v6, v4  }
0x14e: {  	v0 =	vmul.f32 v0, v1;
	v6 =	vmul.f32 v7, v10;
	v2 =	vadd.f32 v2, v3  }
0x14f: {  	v3 =	vadd.f32 v8, v9;
	v7 =	vmul.f32 v11, v1;
	[tilespmem:s19+$0x12220] =	vst v4;
	v4 =	vmul.f32 v12, v10  }
0x150: {  	v5 =	vadd.f32 v6, v5;
	v6 =	vmul.f32 v13, v1;
	[tilespmem:s19+$0x12210] =	vst v2;
	v2 =	vmul.f32 v14, v10  }
0x151: {  	v8 =	vmul.f32 v15, v1;
	[tilespmem:s19+$0x12230] =	vst v3;
	v1 =	vmul.f32 v17, v10;
	v3 =	vadd.f32 v4, v7  }
0x152: {  	v4 =	vmul.f32 v16, v10;
	[tilespmem:s19+$0x12240] =	vst v5;
	v2 =	vadd.f32 v2, v6  }
0x153: {  	v0 =	vadd.f32 v1, v0;
	[tilespmem:s19+$0x12250] =	vst v3  }
0x154: {  	v3 =	vadd.f32 v4, v8;
	[tilespmem:s19+$0x12260] =	vst v2  }
0x155: {  	[tilespmem:s19+$0x12200] =	vst v0  }
0x156: {  	s1 =	simm.s32 $0x0;
	s5 =	simm.s32 $0x12200;
	[tilespmem:s19+$0x12270] =	vst v3  }
0x157: {  	[hbm4b:s14+s1] =	stream.linear.scatter [tilespmem:s5], [sflag:$0xA], $0x2000, $0x38;
	[tilespmem:$0x15A00] =	vst v63  }
0x158: {  	_ =	swait.ge [sflag:s29], $0x2000  }
0x159: {  	[sflag:s29] =	ssyncset.done $0x0  }
0x15a: {  	[sflag:s29] =	ssyncadd.s32 $0xFFFFE000  }
0x15b: {  	_ =	swait.ge [sflag:s30], $0x2000  }
0x15c: {  	[sflag:s30] =	ssyncset.done $0x0  }
0x15d: {  	[sflag:s30] =	ssyncadd.s32 $0xFFFFE000  }
0x15e: {  	_ =	swait.ge [sflag:s3], $0x2000  }
0x15f: {  	[sflag:s3] =	ssyncset.done $0x0  }
0x160: {  	s19 =	simm.s32 $0x0;
	[sflag:s3] =	ssyncadd.s32 $0xFFFFE000  }
0x161: {  	v0 =	vld [tilespmem:s19+$0x8200]  }
0x162: {  	v3 =	vld [tilespmem:s19+$0x8210]  }
0x163: {  	v2 =	vld [tilespmem:s19+$0xA210]  }
0x164: {  	v4 =	vld [tilespmem:s19+$0x8220]  }
0x165: {  	v6 =	vld [tilespmem:s19+$0xA220]  }
0x166: {  	v9 =	vld [tilespmem:s19+$0x8230]  }
0x167: {  	v8 =	vld [tilespmem:s19+$0xA230]  }
0x168: {  	v5 =	vld [tilespmem:s19+$0x8240]  }
0x169: {  	s1 =	simm.s32 $0x14A00;
	v7 =	vld [tilespmem:s19+$0xA240]  }
0x16a: {  	s26 =	simm.s32 $0x15600;
	s28 =	simm.s32 $0x200;
	v1 =	vld [tilespmem:s1+$0x0]  }
.LBB2_10:
0x16b: {  	p0 =	sne.s32 s28, $0x7E00;
	v10 =	vld [tilespmem:s26+$0x0]  }
0x16c: {  	v11 =	vld [tilespmem:s19+$0x8250]  }
0x16d: {  	v12 =	vld [tilespmem:s19+$0xA250]  }
0x16e: {  	v13 =	vld [tilespmem:s19+$0x8260]  }
0x16f: {  	v3 =	vmul.f32 v3, v1;
	v9 =	vmul.f32 v9, v1;
	v14 =	vld [tilespmem:s19+$0xA260]  }
0x170: {  	v4 =	vmul.f32 v4, v1;
	v6 =	vmul.f32 v6, v10;
	v15 =	vld [tilespmem:s19+$0x8270]  }
0x171: {  	v2 =	vmul.f32 v2, v10;
	v8 =	vmul.f32 v8, v10;
	v16 =	vld [tilespmem:s19+$0xA270]  }
0x172: {  	s5 =	sshra.s32 s28, $0x2;
	v5 =	vmul.f32 v5, v1;
	v17 =	vld [tilespmem:s19+$0xA200];
	v4 =	vadd.f32 v6, v4;
	v6 =	vmul.f32 v7, v10  }
0x173: {  	v18 =	vadd.f32 v2, v3;
	v8 =	vadd.f32 v8, v9;
	v9 =	vmul.f32 v11, v1;
	v7 =	vld [tilespmem:s5+$0x8200]  }
0x174: {  	v11 =	vmul.f32 v13, v1;
	v3 =	vld [tilespmem:s5+$0x8210];
	[tilespmem:s19+$0xC220] =	vst v4;
	v5 =	vadd.f32 v6, v5;
	v6 =	vmul.f32 v12, v10  }
0x175: {  	v12 =	vmul.f32 v14, v10;
	v2 =	vld [tilespmem:s5+$0xA210];
	[tilespmem:s19+$0xC210] =	vst v18;
	v13 =	vmul.f32 v15, v1  }
0x176: {  	v1 =	vmul.f32 v0, v1;
	v4 =	vld [tilespmem:s5+$0x8220];
	[tilespmem:s19+$0xC230] =	vst v8;
	v14 =	vadd.f32 v6, v9;
	v8 =	vmul.f32 v16, v10  }
0x177: {  	v6 =	vld [tilespmem:s5+$0xA220];
	v10 =	vmul.f32 v17, v10;
	[tilespmem:s19+$0xC240] =	vst v5;
	v5 =	vadd.f32 v12, v11  }
.Ltmp4:
0x178: {  	v9 =	vld [tilespmem:s5+$0x8230];
	[tilespmem:s19+$0xC250] =	vst v14;
	v11 =	vadd.f32 v8, v13;
	v0 =	vmov v7;
	(pc) =	sbr.rel @p0 .LBB2_10-.Ltmp4, $4  }
0x179: {  	v8 =	vld [tilespmem:s5+$0xA230];
	v1 =	vadd.f32 v10, v1;
	[tilespmem:s19+$0xC260] =	vst v5  }
0x17a: {  	v5 =	vld [tilespmem:s5+$0x8240];
	[tilespmem:s19+$0xC270] =	vst v11  }
0x17b: {  	s1 =	sadd.s32 $0x10, s1;
	v7 =	vld [tilespmem:s5+$0xA240];
	[tilespmem:s19+$0xC200] =	vst v1;
	s19 =	smov.u32 s5  }
0x17c: {  	s28 =	sadd.s32 $0x200, s28;
	s26 =	sadd.s32 $0x10, s26;
	v1 =	vld [tilespmem:s1+$0x0]  }
0x17d: {  	v10 =	vld [tilespmem:s26+$0x0]  }
0x17e: {  	v11 =	vld [tilespmem:s19+$0x8250]  }
0x17f: {  	v12 =	vld [tilespmem:s19+$0xA250]  }
0x180: {  	v13 =	vld [tilespmem:s19+$0x8260]  }
0x181: {  	v15 =	vld [tilespmem:s19+$0x8270]  }
0x182: {  	v16 =	vld [tilespmem:s19+$0xA270];
	v4 =	vmul.f32 v4, v1;
	v6 =	vmul.f32 v6, v10  }
0x183: {  	v17 =	vld [tilespmem:s19+$0xA200];
	v3 =	vmul.f32 v3, v1;
	v2 =	vmul.f32 v2, v10  }
0x184: {  	v14 =	vld [tilespmem:s19+$0xA260];
	v9 =	vmul.f32 v9, v1;
	v8 =	vmul.f32 v8, v10;
	v4 =	vadd.f32 v6, v4  }
0x185: {  	v5 =	vmul.f32 v5, v1;
	v53 =	vmul.f32 v7, v10;
	v2 =	vadd.f32 v2, v3  }
0x186: {  	v55 =	vmul.f32 v11, v1;
	v56 =	vmul.f32 v12, v10;
	v54 =	vadd.f32 v8, v9;
	[tilespmem:s19+$0xC220] =	vst v4  }
0x187: {  	v59 =	vmul.f32 v15, v1;
	v61 =	vmul.f32 v16, v10;
	v5 =	vadd.f32 v53, v5;
	[tilespmem:s19+$0xC210] =	vst v2  }
0x188: {  	v0 =	vmul.f32 v0, v1;
	v62 =	vmul.f32 v17, v10;
	v60 =	vadd.f32 v56, v55;
	[tilespmem:s19+$0xC230] =	vst v54  }
0x189: {  	v57 =	vmul.f32 v13, v1;
	v58 =	vmul.f32 v14, v10;
	v63 =	vadd.f32 v61, v59;
	[tilespmem:s19+$0xC240] =	vst v5  }
0x18a: {  	v0 =	vadd.f32 v62, v0;
	[tilespmem:s19+$0xC250] =	vst v60  }
0x18b: {  	v2 =	vadd.f32 v58, v57;
	[tilespmem:s19+$0xC270] =	vst v63  }
0x18c: {  	[tilespmem:s19+$0xC200] =	vst v0  }
0x18d: {  	s18 =	sadd.s32 $0x1, s18;
	[tilespmem:s19+$0xC260] =	vst v2  }
0x18e: {  	[hbm4b:s15+s4] =	stream.linear.scatter [tilespmem:s31], [sflag:$0x7], $0x2000, $0x38;
	[tilespmem:$0x15A00] =	vst v63  }
0x18f: {  	p0 =	sne.s32 s18, s16;
	_ =	swait.ge [sflag:s3], $0x2000  }
.Ltmp5:
0x190: {  	[sflag:s3] =	ssyncset.done $0x0;
	(pc) =	sbr.rel @p0 .LBB2_1-.Ltmp5, $4  }
0x191: {  	[sflag:s3] =	ssyncadd.s32 $0xFFFFE000  }
0x192: {  	_ =	swait.ge [sflag:s17], $0x2000  }
0x193: {  	[sflag:s17] =	ssyncset.done $0x0  }
0x194: {  	[sflag:s17] =	ssyncadd.s32 $0xFFFFE000  }
0x195: {  	_ =	sfence.sel $0x180000  }
0x196: {  	[bflag:$0x0] =	sbarrier.arrive $0xFFFF  }
0x197: {  	_ =	strace $0x90000047  }
0x198: {  	s0 =	stileid.u32;
	[bflag:$0x2] =	sbarrier.arrive $0xFFFF  }
0x199: {  	p0 =	sne.s32 s0, $0x0;
	s0 =	rddreg [dreg:$0x6]  }
0x19a: {  	s0 =	sadd.s32 @!p0 $0x100000, s0  }
0x19b: {  	[sflag:s0] =	ssyncadd.tile.s32 @!p0 $0x1;
	_ =	shalt  }
.Lfunc_end2:
_tile_overlayer_lowered:
.L_overlay_start_2:
0x19c: {  	(tag) =	ssettag $0x2  }
0x19d: {  	s0 =	rddreg [dreg:$0x0];
	s2 =	stileid.u32  }
0x19e: {  	s1 =	rddreg [dreg:$0x1];
	p0 =	sne.s32 s2, $0x0  }
0x19f: {  	s3 =	rddreg [dreg:$0x2];
	[bflag:$0x3] =	sbarrier.arrive $0xFFFF;
	s2 =	simm.s32 @!p0 $0x1C0B  }
0x1a0: {  	[timem:s3], [sflag:s2] =	dma.local @!p0 [hbm:s0], s1  }
0x1a1: {  	s0 =	simm.s32 @!p0 $0xB  }
0x1a2: {  	_ =	swait.ge @!p0 [sflag:s0], s1  }
0x1a3: {  	s1 =	ssub.s32 @!p0 $0x0, s1;
	[sflag:s0] =	ssyncset.done @!p0 $0x0  }
0x1a4: {  	[sflag:s0] =	ssyncadd.s32 @!p0 s1  }
0x1a5: {  	[bflag:$0x3] =	sbarrier.arrive $0xFFFF  }
0x1a6: {  	_ =	shalt  }

</sc_bundles>
